<compile_context>
chip_gen: v7x
topology: tpu7x:2x2x1
jax: 0.10.2.dev20260603
libtpu: 0.0.44.dev20260713+nightly
codegen_flags: <defaults>
</compile_context>

<pallas_src>
import functools

import jax
import jax.numpy as jnp
from jax import lax
from jax.experimental import pallas as pl
from jax.experimental.pallas import tpu as pltpu
from jax.experimental.pallas import tpu_sc as plsc

VOCAB = 1000
D_MODEL = 768
BATCH = 4096
SEQ = 50

_INFO = plsc.get_sparse_core_info()
_NC = _INFO.num_cores
_NS = _INFO.num_subcores
_NW = _NC * _NS
_B = BATCH * SEQ
_PER_W = _B // _NW
_CHUNK = 16
_NCHUNK = _PER_W // _CHUNK


@functools.partial(
    pl.kernel,
    mesh=plsc.VectorSubcoreMesh(core_axis_name="c", subcore_axis_name="s"),
    out_type=jax.ShapeDtypeStruct((_B, D_MODEL), jnp.float32),
    scratch_types=[
        pltpu.VMEM((_PER_W,), jnp.int32),
        pltpu.VMEM((_CHUNK, D_MODEL), jnp.float32),
        pltpu.VMEM((_CHUNK, D_MODEL), jnp.float32),
        pltpu.VMEM((_CHUNK, D_MODEL), jnp.float32),
        pltpu.VMEM((_CHUNK, D_MODEL), jnp.float32),
        pltpu.VMEM((_CHUNK, D_MODEL), jnp.float32),
        pltpu.VMEM((_CHUNK, D_MODEL), jnp.float32),
        pltpu.VMEM((_CHUNK, D_MODEL), jnp.float32),
        pltpu.VMEM((_CHUNK, D_MODEL), jnp.float32),
        pltpu.SemaphoreType.DMA,
        pltpu.SemaphoreType.DMA,
        pltpu.SemaphoreType.DMA,
        pltpu.SemaphoreType.DMA,
        pltpu.SemaphoreType.DMA,
        pltpu.SemaphoreType.DMA,
        pltpu.SemaphoreType.DMA,
        pltpu.SemaphoreType.DMA,
        pltpu.SemaphoreType.DMA,
        pltpu.SemaphoreType.DMA,
        pltpu.SemaphoreType.DMA,
        pltpu.SemaphoreType.DMA,
        pltpu.SemaphoreType.DMA,
        pltpu.SemaphoreType.DMA,
        pltpu.SemaphoreType.DMA,
        pltpu.SemaphoreType.DMA,
    ],
)
def _gather_kernel(table_hbm, idx_hbm, out_hbm, idx_v,
                   r0, r1, r2, r3, r4, r5, r6, r7,
                   g0, g1, g2, g3, g4, g5, g6, g7,
                   s0, s1, s2, s3, s4, s5, s6, s7):
    wid = lax.axis_index("s") * _NC + lax.axis_index("c")
    base = wid * _PER_W
    bufs = (r0, r1, r2, r3, r4, r5, r6, r7)
    gsem = (g0, g1, g2, g3, g4, g5, g6, g7)
    ssem = (s0, s1, s2, s3, s4, s5, s6, s7)

    pltpu.sync_copy(idx_hbm.at[pl.ds(base, _PER_W)], idx_v)

    def gather(c, b):
        return pltpu.make_async_copy(
            table_hbm.at[idx_v.at[pl.ds(c * _CHUNK, _CHUNK)]], bufs[b], gsem[b]
        )

    def store(c, b):
        return pltpu.make_async_copy(
            bufs[b], out_hbm.at[pl.ds(base + c * _CHUNK, _CHUNK)], ssem[b]
        )

    for b in range(8):
        gather(b, b).start()

    def body(i, carry):
        for b in range(8):
            c = 8 * i + b
            gather(c, b).wait()
            store(c, b).start()
            store(c, b).wait()
            gather(c + 8, b).start()
        return carry

    lax.fori_loop(0, (_NCHUNK - 8) // 8, body, 0)

    for b in range(8):
        c = _NCHUNK - 8 + b
        gather(c, b).wait()
        store(c, b).start()
        store(c, b).wait()


def kernel(input_ids, embedding_table):
    flat_ids = input_ids.T.reshape(_B)
    out = _gather_kernel(embedding_table, flat_ids)
    return (out.reshape(SEQ, BATCH, D_MODEL).transpose(1, 0, 2),)

# --- scband reference (transcript-rebuilt; emitter-appended) ---
"""Pipeline reference for scband-my-model-61933428414942 (READ-ONLY COPY).

The authoritative reference and input builder live on the scoring server;
editing this copy changes nothing except your own understanding.
"""

import jax, jax.numpy as jnp
import numpy as np

VOCAB = 1000
D_MODEL = 768
BATCH = 4096
SEQ = 50

def setup_inputs(seed: int = 0) -> dict:
    key = jax.random.key(seed)
    k1, k2 = jax.random.split(key)
    input_ids = jax.random.randint(k1, (BATCH, SEQ), 0, VOCAB, dtype=jnp.int32)
    embedding_table = jax.random.normal(k2, (VOCAB, D_MODEL), dtype=jnp.float32)
    return {"input_ids": input_ids, "embedding_table": embedding_table}

def reference(input_ids, embedding_table):
    # x = self.embedding(input_ids)
    x = jnp.take(embedding_table, input_ids, axis=0)
    # TransformerLayer.forward returns (x,); outputs = layer_output + () = (x,)
    layer_output = (x,)
    outputs = ()
    outputs = layer_output + outputs
    return outputs

if __name__ == "__main__":
    import jax
    _d = setup_inputs()
    print(jax.jit(kernel)(*tuple(_d.values())))

</pallas_src>

<mosaic_0001>
#map = affine_map<(d0, d1) -> (0, 0)>
#map1 = affine_map<(d0, d1) -> (0)>
module attributes {stable_mosaic.version = 14 : i64} {
  func.func @_gather_kernel(%arg0: i32, %arg1: i32, %arg2: memref<1000x768xf32, #tpu.memory_space<hbm>>, %arg3: memref<204800xi32, #tpu.memory_space<hbm>>, %arg4: memref<204800x768xf32, #tpu.memory_space<hbm>>, %arg5: memref<6400xi32, #tpu.memory_space<vmem>>, %arg6: memref<16x768xf32, #tpu.memory_space<vmem>>, %arg7: memref<16x768xf32, #tpu.memory_space<vmem>>, %arg8: memref<16x768xf32, #tpu.memory_space<vmem>>, %arg9: memref<16x768xf32, #tpu.memory_space<vmem>>, %arg10: memref<16x768xf32, #tpu.memory_space<vmem>>, %arg11: memref<16x768xf32, #tpu.memory_space<vmem>>, %arg12: memref<16x768xf32, #tpu.memory_space<vmem>>, %arg13: memref<16x768xf32, #tpu.memory_space<vmem>>, %arg14: memref<!tpu.dma_semaphore, #tpu.memory_space<semaphore_mem>>, %arg15: memref<!tpu.dma_semaphore, #tpu.memory_space<semaphore_mem>>, %arg16: memref<!tpu.dma_semaphore, #tpu.memory_space<semaphore_mem>>, %arg17: memref<!tpu.dma_semaphore, #tpu.memory_space<semaphore_mem>>, %arg18: memref<!tpu.dma_semaphore, #tpu.memory_space<semaphore_mem>>, %arg19: memref<!tpu.dma_semaphore, #tpu.memory_space<semaphore_mem>>, %arg20: memref<!tpu.dma_semaphore, #tpu.memory_space<semaphore_mem>>, %arg21: memref<!tpu.dma_semaphore, #tpu.memory_space<semaphore_mem>>, %arg22: memref<!tpu.dma_semaphore, #tpu.memory_space<semaphore_mem>>, %arg23: memref<!tpu.dma_semaphore, #tpu.memory_space<semaphore_mem>>, %arg24: memref<!tpu.dma_semaphore, #tpu.memory_space<semaphore_mem>>, %arg25: memref<!tpu.dma_semaphore, #tpu.memory_space<semaphore_mem>>, %arg26: memref<!tpu.dma_semaphore, #tpu.memory_space<semaphore_mem>>, %arg27: memref<!tpu.dma_semaphore, #tpu.memory_space<semaphore_mem>>, %arg28: memref<!tpu.dma_semaphore, #tpu.memory_space<semaphore_mem>>, %arg29: memref<!tpu.dma_semaphore, #tpu.memory_space<semaphore_mem>>) attributes {dimension_semantics = [#tpu.dimension_semantics<core_parallel>, #tpu.dimension_semantics<subcore_parallel>], iteration_bounds = array<i64: 2, 16>, scalar_prefetch = 0 : i64, scratch_operands = 25 : i64, tpu.core_type = #tpu.core_type<sc_vector_subcore>, window_params = [{transform_indices = #map}, {transform_indices = #map1}, {transform_indices = #map}]} {
    %mul3A = arith.constant 2 : i32
    %mul3A_0 = arith.muli %arg1, %mul3A : i32
    %add3A = arith.addi %mul3A_0, %arg0 : i32
    %mul3A_1 = arith.constant 6400 : i32
    %mul3A_2 = arith.muli %add3A, %mul3A_1 : i32
    "tpu.region"() ({
      %run_scoped3A = tpu.sem_alloc : memref<!tpu.dma_semaphore, #tpu.memory_space<semaphore_mem>>
      %dma_start3A_182 = tpu.memref_slice %arg3[%mul3A_2] : memref<204800xi32, #tpu.memory_space<hbm>> -> memref<6400xi32, #tpu.memory_space<hbm>>
      %dma_start3A_183 = tpu.memref_slice %arg3[%mul3A_2] : memref<204800xi32, #tpu.memory_space<hbm>> -> memref<6400xi32, #tpu.memory_space<hbm>>
      tpu.enqueue_dma source(%dma_start3A_183 : memref<6400xi32, #tpu.memory_space<hbm>>) target(%arg5 : memref<6400xi32, #tpu.memory_space<vmem>>) target_semaphore(%run_scoped3A : memref<!tpu.dma_semaphore, #tpu.memory_space<semaphore_mem>>)
      %dma_wait3A_184 = tpu.memref_slice %arg3[%mul3A_2] : memref<204800xi32, #tpu.memory_space<hbm>> -> memref<6400xi32, #tpu.memory_space<hbm>>
      %dma_wait3A_185 = tpu.memref_slice %arg3[%mul3A_2] : memref<204800xi32, #tpu.memory_space<hbm>> -> memref<6400xi32, #tpu.memory_space<hbm>>
      tpu.wait_dma2 semaphore(%run_scoped3A : memref<!tpu.dma_semaphore, #tpu.memory_space<semaphore_mem>>) src(%dma_wait3A_185 : memref<6400xi32, #tpu.memory_space<hbm>>) dst(%arg5 : memref<6400xi32, #tpu.memory_space<vmem>>)
      tpu.yield
    }) : () -> ()
    %dma_start3A = arith.constant 0 : i32
    %dma_start3A_3 = tpu.memref_slice %arg5[%dma_start3A] : memref<6400xi32, #tpu.memory_space<vmem>> -> memref<16xi32, #tpu.memory_space<vmem>>
    %dma_start3A_4 = arith.constant 0 : i32
    %dma_start3A_5 = arith.constant 0 : i32
    %dma_start3A_6 = tpu.memref_slice %arg2[%dma_start3A_4, %dma_start3A_5] : memref<1000x768xf32, #tpu.memory_space<hbm>> -> memref<1000x768xf32, #tpu.memory_space<hbm>>
    tpu.enqueue_indirect_dma source(%dma_start3A_6 : memref<1000x768xf32, #tpu.memory_space<hbm>>) target(%arg6 : memref<16x768xf32, #tpu.memory_space<vmem>>) offsets(%dma_start3A_3 : memref<16xi32, #tpu.memory_space<vmem>>) semaphore(%arg14 : memref<!tpu.dma_semaphore, #tpu.memory_space<semaphore_mem>>)
    %dma_start3A_7 = arith.constant 16 : i32
    %dma_start3A_8 = tpu.memref_slice %arg5[%dma_start3A_7] : memref<6400xi32, #tpu.memory_space<vmem>> -> memref<16xi32, #tpu.memory_space<vmem>>
    %dma_start3A_9 = arith.constant 0 : i32
    %dma_start3A_10 = arith.constant 0 : i32
    %dma_start3A_11 = tpu.memref_slice %arg2[%dma_start3A_9, %dma_start3A_10] : memref<1000x768xf32, #tpu.memory_space<hbm>> -> memref<1000x768xf32, #tpu.memory_space<hbm>>
    tpu.enqueue_indirect_dma source(%dma_start3A_11 : memref<1000x768xf32, #tpu.memory_space<hbm>>) target(%arg7 : memref<16x768xf32, #tpu.memory_space<vmem>>) offsets(%dma_start3A_8 : memref<16xi32, #tpu.memory_space<vmem>>) semaphore(%arg15 : memref<!tpu.dma_semaphore, #tpu.memory_space<semaphore_mem>>)
    %dma_start3A_12 = arith.constant 32 : i32
    %dma_start3A_13 = tpu.memref_slice %arg5[%dma_start3A_12] : memref<6400xi32, #tpu.memory_space<vmem>> -> memref<16xi32, #tpu.memory_space<vmem>>
    %dma_start3A_14 = arith.constant 0 : i32
    %dma_start3A_15 = arith.constant 0 : i32
    %dma_start3A_16 = tpu.memref_slice %arg2[%dma_start3A_14, %dma_start3A_15] : memref<1000x768xf32, #tpu.memory_space<hbm>> -> memref<1000x768xf32, #tpu.memory_space<hbm>>
    tpu.enqueue_indirect_dma source(%dma_start3A_16 : memref<1000x768xf32, #tpu.memory_space<hbm>>) target(%arg8 : memref<16x768xf32, #tpu.memory_space<vmem>>) offsets(%dma_start3A_13 : memref<16xi32, #tpu.memory_space<vmem>>) semaphore(%arg16 : memref<!tpu.dma_semaphore, #tpu.memory_space<semaphore_mem>>)
    %dma_start3A_17 = arith.constant 48 : i32
    %dma_start3A_18 = tpu.memref_slice %arg5[%dma_start3A_17] : memref<6400xi32, #tpu.memory_space<vmem>> -> memref<16xi32, #tpu.memory_space<vmem>>
    %dma_start3A_19 = arith.constant 0 : i32
    %dma_start3A_20 = arith.constant 0 : i32
    %dma_start3A_21 = tpu.memref_slice %arg2[%dma_start3A_19, %dma_start3A_20] : memref<1000x768xf32, #tpu.memory_space<hbm>> -> memref<1000x768xf32, #tpu.memory_space<hbm>>
    tpu.enqueue_indirect_dma source(%dma_start3A_21 : memref<1000x768xf32, #tpu.memory_space<hbm>>) target(%arg9 : memref<16x768xf32, #tpu.memory_space<vmem>>) offsets(%dma_start3A_18 : memref<16xi32, #tpu.memory_space<vmem>>) semaphore(%arg17 : memref<!tpu.dma_semaphore, #tpu.memory_space<semaphore_mem>>)
    %dma_start3A_22 = arith.constant 64 : i32
    %dma_start3A_23 = tpu.memref_slice %arg5[%dma_start3A_22] : memref<6400xi32, #tpu.memory_space<vmem>> -> memref<16xi32, #tpu.memory_space<vmem>>
    %dma_start3A_24 = arith.constant 0 : i32
    %dma_start3A_25 = arith.constant 0 : i32
    %dma_start3A_26 = tpu.memref_slice %arg2[%dma_start3A_24, %dma_start3A_25] : memref<1000x768xf32, #tpu.memory_space<hbm>> -> memref<1000x768xf32, #tpu.memory_space<hbm>>
    tpu.enqueue_indirect_dma source(%dma_start3A_26 : memref<1000x768xf32, #tpu.memory_space<hbm>>) target(%arg10 : memref<16x768xf32, #tpu.memory_space<vmem>>) offsets(%dma_start3A_23 : memref<16xi32, #tpu.memory_space<vmem>>) semaphore(%arg18 : memref<!tpu.dma_semaphore, #tpu.memory_space<semaphore_mem>>)
    %dma_start3A_27 = arith.constant 80 : i32
    %dma_start3A_28 = tpu.memref_slice %arg5[%dma_start3A_27] : memref<6400xi32, #tpu.memory_space<vmem>> -> memref<16xi32, #tpu.memory_space<vmem>>
    %dma_start3A_29 = arith.constant 0 : i32
    %dma_start3A_30 = arith.constant 0 : i32
    %dma_start3A_31 = tpu.memref_slice %arg2[%dma_start3A_29, %dma_start3A_30] : memref<1000x768xf32, #tpu.memory_space<hbm>> -> memref<1000x768xf32, #tpu.memory_space<hbm>>
    tpu.enqueue_indirect_dma source(%dma_start3A_31 : memref<1000x768xf32, #tpu.memory_space<hbm>>) target(%arg11 : memref<16x768xf32, #tpu.memory_space<vmem>>) offsets(%dma_start3A_28 : memref<16xi32, #tpu.memory_space<vmem>>) semaphore(%arg19 : memref<!tpu.dma_semaphore, #tpu.memory_space<semaphore_mem>>)
    %dma_start3A_32 = arith.constant 96 : i32
    %dma_start3A_33 = tpu.memref_slice %arg5[%dma_start3A_32] : memref<6400xi32, #tpu.memory_space<vmem>> -> memref<16xi32, #tpu.memory_space<vmem>>
    %dma_start3A_34 = arith.constant 0 : i32
    %dma_start3A_35 = arith.constant 0 : i32
    %dma_start3A_36 = tpu.memref_slice %arg2[%dma_start3A_34, %dma_start3A_35] : memref<1000x768xf32, #tpu.memory_space<hbm>> -> memref<1000x768xf32, #tpu.memory_space<hbm>>
    tpu.enqueue_indirect_dma source(%dma_start3A_36 : memref<1000x768xf32, #tpu.memory_space<hbm>>) target(%arg12 : memref<16x768xf32, #tpu.memory_space<vmem>>) offsets(%dma_start3A_33 : memref<16xi32, #tpu.memory_space<vmem>>) semaphore(%arg20 : memref<!tpu.dma_semaphore, #tpu.memory_space<semaphore_mem>>)
    %dma_start3A_37 = arith.constant 112 : i32
    %dma_start3A_38 = tpu.memref_slice %arg5[%dma_start3A_37] : memref<6400xi32, #tpu.memory_space<vmem>> -> memref<16xi32, #tpu.memory_space<vmem>>
    %dma_start3A_39 = arith.constant 0 : i32
    %dma_start3A_40 = arith.constant 0 : i32
    %dma_start3A_41 = tpu.memref_slice %arg2[%dma_start3A_39, %dma_start3A_40] : memref<1000x768xf32, #tpu.memory_space<hbm>> -> memref<1000x768xf32, #tpu.memory_space<hbm>>
    tpu.enqueue_indirect_dma source(%dma_start3A_41 : memref<1000x768xf32, #tpu.memory_space<hbm>>) target(%arg13 : memref<16x768xf32, #tpu.memory_space<vmem>>) offsets(%dma_start3A_38 : memref<16xi32, #tpu.memory_space<vmem>>) semaphore(%arg21 : memref<!tpu.dma_semaphore, #tpu.memory_space<semaphore_mem>>)
    %scan3A = arith.constant 0 : i32
    %scan3A_42 = arith.constant 0 : i32
    %scan3A_43 = arith.constant 49 : i32
    %scan3A_44 = arith.addi %scan3A_42, %scan3A_43 : i32
    %scan3A_45 = arith.constant 1 : i32
    scf.for %scan3A_182 = %scan3A_42 to %scan3A_44 step %scan3A_45  : i32 {
      %mul3A_183 = arith.constant 8 : i32
      %mul3A_184 = arith.muli %mul3A_183, %scan3A_182 : i32
      %add3A_185 = arith.constant 0 : i32
      %add3A_186 = arith.addi %mul3A_184, %add3A_185 : i32
      %mul3A_187 = arith.constant 16 : i32
      %mul3A_188 = arith.muli %add3A_186, %mul3A_187 : i32
      %dma_wait3A_189 = tpu.memref_slice %arg5[%mul3A_188] : memref<6400xi32, #tpu.memory_space<vmem>> -> memref<16xi32, #tpu.memory_space<vmem>>
      %dma_wait3A_190 = arith.constant 0 : i32
      %dma_wait3A_191 = arith.constant 0 : i32
      %dma_wait3A_192 = tpu.memref_slice %arg2[%dma_wait3A_190, %dma_wait3A_191] : memref<1000x768xf32, #tpu.memory_space<hbm>> -> memref<1000x768xf32, #tpu.memory_space<hbm>>
      tpu.wait_indirect_dma semaphore(%arg14 : memref<!tpu.dma_semaphore, #tpu.memory_space<semaphore_mem>>) src(%dma_wait3A_192 : memref<1000x768xf32, #tpu.memory_space<hbm>>) dst(%arg6 : memref<16x768xf32, #tpu.memory_space<vmem>>)
      %mul3A_193 = arith.constant 16 : i32
      %mul3A_194 = arith.muli %add3A_186, %mul3A_193 : i32
      %add3A_195 = arith.addi %mul3A_2, %mul3A_194 : i32
      %dma_start3A_196 = arith.constant 0 : i32
      %dma_start3A_197 = tpu.memref_slice %arg4[%add3A_195, %dma_start3A_196] : memref<204800x768xf32, #tpu.memory_space<hbm>> -> memref<16x768xf32, #tpu.memory_space<hbm>>
      %dma_start3A_198 = arith.constant 0 : i32
      %dma_start3A_199 = tpu.memref_slice %arg4[%add3A_195, %dma_start3A_198] : memref<204800x768xf32, #tpu.memory_space<hbm>> -> memref<16x768xf32, #tpu.memory_space<hbm>>
      tpu.enqueue_dma source(%arg6 : memref<16x768xf32, #tpu.memory_space<vmem>>) target(%dma_start3A_199 : memref<16x768xf32, #tpu.memory_space<hbm>>) target_semaphore(%arg22 : memref<!tpu.dma_semaphore, #tpu.memory_space<semaphore_mem>>)
      %mul3A_200 = arith.constant 16 : i32
      %mul3A_201 = arith.muli %add3A_186, %mul3A_200 : i32
      %add3A_202 = arith.addi %mul3A_2, %mul3A_201 : i32
      %dma_wait3A_203 = arith.constant 0 : i32
      %dma_wait3A_204 = tpu.memref_slice %arg4[%add3A_202, %dma_wait3A_203] : memref<204800x768xf32, #tpu.memory_space<hbm>> -> memref<16x768xf32, #tpu.memory_space<hbm>>
      %dma_wait3A_205 = arith.constant 0 : i32
      %dma_wait3A_206 = tpu.memref_slice %arg4[%add3A_202, %dma_wait3A_205] : memref<204800x768xf32, #tpu.memory_space<hbm>> -> memref<16x768xf32, #tpu.memory_space<hbm>>
      tpu.wait_dma2 semaphore(%arg22 : memref<!tpu.dma_semaphore, #tpu.memory_space<semaphore_mem>>) src(%arg6 : memref<16x768xf32, #tpu.memory_space<vmem>>) dst(%dma_wait3A_206 : memref<16x768xf32, #tpu.memory_space<hbm>>)
      %add3A_207 = arith.constant 8 : i32
      %add3A_208 = arith.addi %add3A_186, %add3A_207 : i32
      %mul3A_209 = arith.constant 16 : i32
      %mul3A_210 = arith.muli %add3A_208, %mul3A_209 : i32
      %dma_start3A_211 = tpu.memref_slice %arg5[%mul3A_210] : memref<6400xi32, #tpu.memory_space<vmem>> -> memref<16xi32, #tpu.memory_space<vmem>>
      %dma_start3A_212 = arith.constant 0 : i32
      %dma_start3A_213 = arith.constant 0 : i32
      %dma_start3A_214 = tpu.memref_slice %arg2[%dma_start3A_212, %dma_start3A_213] : memref<1000x768xf32, #tpu.memory_space<hbm>> -> memref<1000x768xf32, #tpu.memory_space<hbm>>
      tpu.enqueue_indirect_dma source(%dma_start3A_214 : memref<1000x768xf32, #tpu.memory_space<hbm>>) target(%arg6 : memref<16x768xf32, #tpu.memory_space<vmem>>) offsets(%dma_start3A_211 : memref<16xi32, #tpu.memory_space<vmem>>) semaphore(%arg14 : memref<!tpu.dma_semaphore, #tpu.memory_space<semaphore_mem>>)
      %mul3A_215 = arith.constant 8 : i32
      %mul3A_216 = arith.muli %mul3A_215, %scan3A_182 : i32
      %add3A_217 = arith.constant 1 : i32
      %add3A_218 = arith.addi %mul3A_216, %add3A_217 : i32
      %mul3A_219 = arith.constant 16 : i32
      %mul3A_220 = arith.muli %add3A_218, %mul3A_219 : i32
      %dma_wait3A_221 = tpu.memref_slice %arg5[%mul3A_220] : memref<6400xi32, #tpu.memory_space<vmem>> -> memref<16xi32, #tpu.memory_space<vmem>>
      %dma_wait3A_222 = arith.constant 0 : i32
      %dma_wait3A_223 = arith.constant 0 : i32
      %dma_wait3A_224 = tpu.memref_slice %arg2[%dma_wait3A_222, %dma_wait3A_223] : memref<1000x768xf32, #tpu.memory_space<hbm>> -> memref<1000x768xf32, #tpu.memory_space<hbm>>
      tpu.wait_indirect_dma semaphore(%arg15 : memref<!tpu.dma_semaphore, #tpu.memory_space<semaphore_mem>>) src(%dma_wait3A_224 : memref<1000x768xf32, #tpu.memory_space<hbm>>) dst(%arg7 : memref<16x768xf32, #tpu.memory_space<vmem>>)
      %mul3A_225 = arith.constant 16 : i32
      %mul3A_226 = arith.muli %add3A_218, %mul3A_225 : i32
      %add3A_227 = arith.addi %mul3A_2, %mul3A_226 : i32
      %dma_start3A_228 = arith.constant 0 : i32
      %dma_start3A_229 = tpu.memref_slice %arg4[%add3A_227, %dma_start3A_228] : memref<204800x768xf32, #tpu.memory_space<hbm>> -> memref<16x768xf32, #tpu.memory_space<hbm>>
      %dma_start3A_230 = arith.constant 0 : i32
      %dma_start3A_231 = tpu.memref_slice %arg4[%add3A_227, %dma_start3A_230] : memref<204800x768xf32, #tpu.memory_space<hbm>> -> memref<16x768xf32, #tpu.memory_space<hbm>>
      tpu.enqueue_dma source(%arg7 : memref<16x768xf32, #tpu.memory_space<vmem>>) target(%dma_start3A_231 : memref<16x768xf32, #tpu.memory_space<hbm>>) target_semaphore(%arg23 : memref<!tpu.dma_semaphore, #tpu.memory_space<semaphore_mem>>)
      %mul3A_232 = arith.constant 16 : i32
      %mul3A_233 = arith.muli %add3A_218, %mul3A_232 : i32
      %add3A_234 = arith.addi %mul3A_2, %mul3A_233 : i32
      %dma_wait3A_235 = arith.constant 0 : i32
      %dma_wait3A_236 = tpu.memref_slice %arg4[%add3A_234, %dma_wait3A_235] : memref<204800x768xf32, #tpu.memory_space<hbm>> -> memref<16x768xf32, #tpu.memory_space<hbm>>
      %dma_wait3A_237 = arith.constant 0 : i32
      %dma_wait3A_238 = tpu.memref_slice %arg4[%add3A_234, %dma_wait3A_237] : memref<204800x768xf32, #tpu.memory_space<hbm>> -> memref<16x768xf32, #tpu.memory_space<hbm>>
      tpu.wait_dma2 semaphore(%arg23 : memref<!tpu.dma_semaphore, #tpu.memory_space<semaphore_mem>>) src(%arg7 : memref<16x768xf32, #tpu.memory_space<vmem>>) dst(%dma_wait3A_238 : memref<16x768xf32, #tpu.memory_space<hbm>>)
      %add3A_239 = arith.constant 8 : i32
      %add3A_240 = arith.addi %add3A_218, %add3A_239 : i32
      %mul3A_241 = arith.constant 16 : i32
      %mul3A_242 = arith.muli %add3A_240, %mul3A_241 : i32
      %dma_start3A_243 = tpu.memref_slice %arg5[%mul3A_242] : memref<6400xi32, #tpu.memory_space<vmem>> -> memref<16xi32, #tpu.memory_space<vmem>>
      %dma_start3A_244 = arith.constant 0 : i32
      %dma_start3A_245 = arith.constant 0 : i32
      %dma_start3A_246 = tpu.memref_slice %arg2[%dma_start3A_244, %dma_start3A_245] : memref<1000x768xf32, #tpu.memory_space<hbm>> -> memref<1000x768xf32, #tpu.memory_space<hbm>>
      tpu.enqueue_indirect_dma source(%dma_start3A_246 : memref<1000x768xf32, #tpu.memory_space<hbm>>) target(%arg7 : memref<16x768xf32, #tpu.memory_space<vmem>>) offsets(%dma_start3A_243 : memref<16xi32, #tpu.memory_space<vmem>>) semaphore(%arg15 : memref<!tpu.dma_semaphore, #tpu.memory_space<semaphore_mem>>)
      %mul3A_247 = arith.constant 8 : i32
      %mul3A_248 = arith.muli %mul3A_247, %scan3A_182 : i32
      %add3A_249 = arith.constant 2 : i32
      %add3A_250 = arith.addi %mul3A_248, %add3A_249 : i32
      %mul3A_251 = arith.constant 16 : i32
      %mul3A_252 = arith.muli %add3A_250, %mul3A_251 : i32
      %dma_wait3A_253 = tpu.memref_slice %arg5[%mul3A_252] : memref<6400xi32, #tpu.memory_space<vmem>> -> memref<16xi32, #tpu.memory_space<vmem>>
      %dma_wait3A_254 = arith.constant 0 : i32
      %dma_wait3A_255 = arith.constant 0 : i32
      %dma_wait3A_256 = tpu.memref_slice %arg2[%dma_wait3A_254, %dma_wait3A_255] : memref<1000x768xf32, #tpu.memory_space<hbm>> -> memref<1000x768xf32, #tpu.memory_space<hbm>>
      tpu.wait_indirect_dma semaphore(%arg16 : memref<!tpu.dma_semaphore, #tpu.memory_space<semaphore_mem>>) src(%dma_wait3A_256 : memref<1000x768xf32, #tpu.memory_space<hbm>>) dst(%arg8 : memref<16x768xf32, #tpu.memory_space<vmem>>)
      %mul3A_257 = arith.constant 16 : i32
      %mul3A_258 = arith.muli %add3A_250, %mul3A_257 : i32
      %add3A_259 = arith.addi %mul3A_2, %mul3A_258 : i32
      %dma_start3A_260 = arith.constant 0 : i32
      %dma_start3A_261 = tpu.memref_slice %arg4[%add3A_259, %dma_start3A_260] : memref<204800x768xf32, #tpu.memory_space<hbm>> -> memref<16x768xf32, #tpu.memory_space<hbm>>
      %dma_start3A_262 = arith.constant 0 : i32
      %dma_start3A_263 = tpu.memref_slice %arg4[%add3A_259, %dma_start3A_262] : memref<204800x768xf32, #tpu.memory_space<hbm>> -> memref<16x768xf32, #tpu.memory_space<hbm>>
      tpu.enqueue_dma source(%arg8 : memref<16x768xf32, #tpu.memory_space<vmem>>) target(%dma_start3A_263 : memref<16x768xf32, #tpu.memory_space<hbm>>) target_semaphore(%arg24 : memref<!tpu.dma_semaphore, #tpu.memory_space<semaphore_mem>>)
      %mul3A_264 = arith.constant 16 : i32
      %mul3A_265 = arith.muli %add3A_250, %mul3A_264 : i32
      %add3A_266 = arith.addi %mul3A_2, %mul3A_265 : i32
      %dma_wait3A_267 = arith.constant 0 : i32
      %dma_wait3A_268 = tpu.memref_slice %arg4[%add3A_266, %dma_wait3A_267] : memref<204800x768xf32, #tpu.memory_space<hbm>> -> memref<16x768xf32, #tpu.memory_space<hbm>>
      %dma_wait3A_269 = arith.constant 0 : i32
      %dma_wait3A_270 = tpu.memref_slice %arg4[%add3A_266, %dma_wait3A_269] : memref<204800x768xf32, #tpu.memory_space<hbm>> -> memref<16x768xf32, #tpu.memory_space<hbm>>
      tpu.wait_dma2 semaphore(%arg24 : memref<!tpu.dma_semaphore, #tpu.memory_space<semaphore_mem>>) src(%arg8 : memref<16x768xf32, #tpu.memory_space<vmem>>) dst(%dma_wait3A_270 : memref<16x768xf32, #tpu.memory_space<hbm>>)
      %add3A_271 = arith.constant 8 : i32
      %add3A_272 = arith.addi %add3A_250, %add3A_271 : i32
      %mul3A_273 = arith.constant 16 : i32
      %mul3A_274 = arith.muli %add3A_272, %mul3A_273 : i32
      %dma_start3A_275 = tpu.memref_slice %arg5[%mul3A_274] : memref<6400xi32, #tpu.memory_space<vmem>> -> memref<16xi32, #tpu.memory_space<vmem>>
      %dma_start3A_276 = arith.constant 0 : i32
      %dma_start3A_277 = arith.constant 0 : i32
      %dma_start3A_278 = tpu.memref_slice %arg2[%dma_start3A_276, %dma_start3A_277] : memref<1000x768xf32, #tpu.memory_space<hbm>> -> memref<1000x768xf32, #tpu.memory_space<hbm>>
      tpu.enqueue_indirect_dma source(%dma_start3A_278 : memref<1000x768xf32, #tpu.memory_space<hbm>>) target(%arg8 : memref<16x768xf32, #tpu.memory_space<vmem>>) offsets(%dma_start3A_275 : memref<16xi32, #tpu.memory_space<vmem>>) semaphore(%arg16 : memref<!tpu.dma_semaphore, #tpu.memory_space<semaphore_mem>>)
      %mul3A_279 = arith.constant 8 : i32
      %mul3A_280 = arith.muli %mul3A_279, %scan3A_182 : i32
      %add3A_281 = arith.constant 3 : i32
      %add3A_282 = arith.addi %mul3A_280, %add3A_281 : i32
      %mul3A_283 = arith.constant 16 : i32
      %mul3A_284 = arith.muli %add3A_282, %mul3A_283 : i32
      %dma_wait3A_285 = tpu.memref_slice %arg5[%mul3A_284] : memref<6400xi32, #tpu.memory_space<vmem>> -> memref<16xi32, #tpu.memory_space<vmem>>
      %dma_wait3A_286 = arith.constant 0 : i32
      %dma_wait3A_287 = arith.constant 0 : i32
      %dma_wait3A_288 = tpu.memref_slice %arg2[%dma_wait3A_286, %dma_wait3A_287] : memref<1000x768xf32, #tpu.memory_space<hbm>> -> memref<1000x768xf32, #tpu.memory_space<hbm>>
      tpu.wait_indirect_dma semaphore(%arg17 : memref<!tpu.dma_semaphore, #tpu.memory_space<semaphore_mem>>) src(%dma_wait3A_288 : memref<1000x768xf32, #tpu.memory_space<hbm>>) dst(%arg9 : memref<16x768xf32, #tpu.memory_space<vmem>>)
      %mul3A_289 = arith.constant 16 : i32
      %mul3A_290 = arith.muli %add3A_282, %mul3A_289 : i32
      %add3A_291 = arith.addi %mul3A_2, %mul3A_290 : i32
      %dma_start3A_292 = arith.constant 0 : i32
      %dma_start3A_293 = tpu.memref_slice %arg4[%add3A_291, %dma_start3A_292] : memref<204800x768xf32, #tpu.memory_space<hbm>> -> memref<16x768xf32, #tpu.memory_space<hbm>>
      %dma_start3A_294 = arith.constant 0 : i32
      %dma_start3A_295 = tpu.memref_slice %arg4[%add3A_291, %dma_start3A_294] : memref<204800x768xf32, #tpu.memory_space<hbm>> -> memref<16x768xf32, #tpu.memory_space<hbm>>
      tpu.enqueue_dma source(%arg9 : memref<16x768xf32, #tpu.memory_space<vmem>>) target(%dma_start3A_295 : memref<16x768xf32, #tpu.memory_space<hbm>>) target_semaphore(%arg25 : memref<!tpu.dma_semaphore, #tpu.memory_space<semaphore_mem>>)
      %mul3A_296 = arith.constant 16 : i32
      %mul3A_297 = arith.muli %add3A_282, %mul3A_296 : i32
      %add3A_298 = arith.addi %mul3A_2, %mul3A_297 : i32
      %dma_wait3A_299 = arith.constant 0 : i32
      %dma_wait3A_300 = tpu.memref_slice %arg4[%add3A_298, %dma_wait3A_299] : memref<204800x768xf32, #tpu.memory_space<hbm>> -> memref<16x768xf32, #tpu.memory_space<hbm>>
      %dma_wait3A_301 = arith.constant 0 : i32
      %dma_wait3A_302 = tpu.memref_slice %arg4[%add3A_298, %dma_wait3A_301] : memref<204800x768xf32, #tpu.memory_space<hbm>> -> memref<16x768xf32, #tpu.memory_space<hbm>>
      tpu.wait_dma2 semaphore(%arg25 : memref<!tpu.dma_semaphore, #tpu.memory_space<semaphore_mem>>) src(%arg9 : memref<16x768xf32, #tpu.memory_space<vmem>>) dst(%dma_wait3A_302 : memref<16x768xf32, #tpu.memory_space<hbm>>)
      %add3A_303 = arith.constant 8 : i32
      %add3A_304 = arith.addi %add3A_282, %add3A_303 : i32
      %mul3A_305 = arith.constant 16 : i32
      %mul3A_306 = arith.muli %add3A_304, %mul3A_305 : i32
      %dma_start3A_307 = tpu.memref_slice %arg5[%mul3A_306] : memref<6400xi32, #tpu.memory_space<vmem>> -> memref<16xi32, #tpu.memory_space<vmem>>
      %dma_start3A_308 = arith.constant 0 : i32
      %dma_start3A_309 = arith.constant 0 : i32
      %dma_start3A_310 = tpu.memref_slice %arg2[%dma_start3A_308, %dma_start3A_309] : memref<1000x768xf32, #tpu.memory_space<hbm>> -> memref<1000x768xf32, #tpu.memory_space<hbm>>
      tpu.enqueue_indirect_dma source(%dma_start3A_310 : memref<1000x768xf32, #tpu.memory_space<hbm>>) target(%arg9 : memref<16x768xf32, #tpu.memory_space<vmem>>) offsets(%dma_start3A_307 : memref<16xi32, #tpu.memory_space<vmem>>) semaphore(%arg17 : memref<!tpu.dma_semaphore, #tpu.memory_space<semaphore_mem>>)
      %mul3A_311 = arith.constant 8 : i32
      %mul3A_312 = arith.muli %mul3A_311, %scan3A_182 : i32
      %add3A_313 = arith.constant 4 : i32
      %add3A_314 = arith.addi %mul3A_312, %add3A_313 : i32
      %mul3A_315 = arith.constant 16 : i32
      %mul3A_316 = arith.muli %add3A_314, %mul3A_315 : i32
      %dma_wait3A_317 = tpu.memref_slice %arg5[%mul3A_316] : memref<6400xi32, #tpu.memory_space<vmem>> -> memref<16xi32, #tpu.memory_space<vmem>>
      %dma_wait3A_318 = arith.constant 0 : i32
      %dma_wait3A_319 = arith.constant 0 : i32
      %dma_wait3A_320 = tpu.memref_slice %arg2[%dma_wait3A_318, %dma_wait3A_319] : memref<1000x768xf32, #tpu.memory_space<hbm>> -> memref<1000x768xf32, #tpu.memory_space<hbm>>
      tpu.wait_indirect_dma semaphore(%arg18 : memref<!tpu.dma_semaphore, #tpu.memory_space<semaphore_mem>>) src(%dma_wait3A_320 : memref<1000x768xf32, #tpu.memory_space<hbm>>) dst(%arg10 : memref<16x768xf32, #tpu.memory_space<vmem>>)
      %mul3A_321 = arith.constant 16 : i32
      %mul3A_322 = arith.muli %add3A_314, %mul3A_321 : i32
      %add3A_323 = arith.addi %mul3A_2, %mul3A_322 : i32
      %dma_start3A_324 = arith.constant 0 : i32
      %dma_start3A_325 = tpu.memref_slice %arg4[%add3A_323, %dma_start3A_324] : memref<204800x768xf32, #tpu.memory_space<hbm>> -> memref<16x768xf32, #tpu.memory_space<hbm>>
      %dma_start3A_326 = arith.constant 0 : i32
      %dma_start3A_327 = tpu.memref_slice %arg4[%add3A_323, %dma_start3A_326] : memref<204800x768xf32, #tpu.memory_space<hbm>> -> memref<16x768xf32, #tpu.memory_space<hbm>>
      tpu.enqueue_dma source(%arg10 : memref<16x768xf32, #tpu.memory_space<vmem>>) target(%dma_start3A_327 : memref<16x768xf32, #tpu.memory_space<hbm>>) target_semaphore(%arg26 : memref<!tpu.dma_semaphore, #tpu.memory_space<semaphore_mem>>)
      %mul3A_328 = arith.constant 16 : i32
      %mul3A_329 = arith.muli %add3A_314, %mul3A_328 : i32
      %add3A_330 = arith.addi %mul3A_2, %mul3A_329 : i32
      %dma_wait3A_331 = arith.constant 0 : i32
      %dma_wait3A_332 = tpu.memref_slice %arg4[%add3A_330, %dma_wait3A_331] : memref<204800x768xf32, #tpu.memory_space<hbm>> -> memref<16x768xf32, #tpu.memory_space<hbm>>
      %dma_wait3A_333 = arith.constant 0 : i32
      %dma_wait3A_334 = tpu.memref_slice %arg4[%add3A_330, %dma_wait3A_333] : memref<204800x768xf32, #tpu.memory_space<hbm>> -> memref<16x768xf32, #tpu.memory_space<hbm>>
      tpu.wait_dma2 semaphore(%arg26 : memref<!tpu.dma_semaphore, #tpu.memory_space<semaphore_mem>>) src(%arg10 : memref<16x768xf32, #tpu.memory_space<vmem>>) dst(%dma_wait3A_334 : memref<16x768xf32, #tpu.memory_space<hbm>>)
      %add3A_335 = arith.constant 8 : i32
      %add3A_336 = arith.addi %add3A_314, %add3A_335 : i32
      %mul3A_337 = arith.constant 16 : i32
      %mul3A_338 = arith.muli %add3A_336, %mul3A_337 : i32
      %dma_start3A_339 = tpu.memref_slice %arg5[%mul3A_338] : memref<6400xi32, #tpu.memory_space<vmem>> -> memref<16xi32, #tpu.memory_space<vmem>>
      %dma_start3A_340 = arith.constant 0 : i32
      %dma_start3A_341 = arith.constant 0 : i32
      %dma_start3A_342 = tpu.memref_slice %arg2[%dma_start3A_340, %dma_start3A_341] : memref<1000x768xf32, #tpu.memory_space<hbm>> -> memref<1000x768xf32, #tpu.memory_space<hbm>>
      tpu.enqueue_indirect_dma source(%dma_start3A_342 : memref<1000x768xf32, #tpu.memory_space<hbm>>) target(%arg10 : memref<16x768xf32, #tpu.memory_space<vmem>>) offsets(%dma_start3A_339 : memref<16xi32, #tpu.memory_space<vmem>>) semaphore(%arg18 : memref<!tpu.dma_semaphore, #tpu.memory_space<semaphore_mem>>)
      %mul3A_343 = arith.constant 8 : i32
      %mul3A_344 = arith.muli %mul3A_343, %scan3A_182 : i32
      %add3A_345 = arith.constant 5 : i32
      %add3A_346 = arith.addi %mul3A_344, %add3A_345 : i32
      %mul3A_347 = arith.constant 16 : i32
      %mul3A_348 = arith.muli %add3A_346, %mul3A_347 : i32
      %dma_wait3A_349 = tpu.memref_slice %arg5[%mul3A_348] : memref<6400xi32, #tpu.memory_space<vmem>> -> memref<16xi32, #tpu.memory_space<vmem>>
      %dma_wait3A_350 = arith.constant 0 : i32
      %dma_wait3A_351 = arith.constant 0 : i32
      %dma_wait3A_352 = tpu.memref_slice %arg2[%dma_wait3A_350, %dma_wait3A_351] : memref<1000x768xf32, #tpu.memory_space<hbm>> -> memref<1000x768xf32, #tpu.memory_space<hbm>>
      tpu.wait_indirect_dma semaphore(%arg19 : memref<!tpu.dma_semaphore, #tpu.memory_space<semaphore_mem>>) src(%dma_wait3A_352 : memref<1000x768xf32, #tpu.memory_space<hbm>>) dst(%arg11 : memref<16x768xf32, #tpu.memory_space<vmem>>)
      %mul3A_353 = arith.constant 16 : i32
      %mul3A_354 = arith.muli %add3A_346, %mul3A_353 : i32
      %add3A_355 = arith.addi %mul3A_2, %mul3A_354 : i32
      %dma_start3A_356 = arith.constant 0 : i32
      %dma_start3A_357 = tpu.memref_slice %arg4[%add3A_355, %dma_start3A_356] : memref<204800x768xf32, #tpu.memory_space<hbm>> -> memref<16x768xf32, #tpu.memory_space<hbm>>
      %dma_start3A_358 = arith.constant 0 : i32
      %dma_start3A_359 = tpu.memref_slice %arg4[%add3A_355, %dma_start3A_358] : memref<204800x768xf32, #tpu.memory_space<hbm>> -> memref<16x768xf32, #tpu.memory_space<hbm>>
      tpu.enqueue_dma source(%arg11 : memref<16x768xf32, #tpu.memory_space<vmem>>) target(%dma_start3A_359 : memref<16x768xf32, #tpu.memory_space<hbm>>) target_semaphore(%arg27 : memref<!tpu.dma_semaphore, #tpu.memory_space<semaphore_mem>>)
      %mul3A_360 = arith.constant 16 : i32
      %mul3A_361 = arith.muli %add3A_346, %mul3A_360 : i32
      %add3A_362 = arith.addi %mul3A_2, %mul3A_361 : i32
      %dma_wait3A_363 = arith.constant 0 : i32
      %dma_wait3A_364 = tpu.memref_slice %arg4[%add3A_362, %dma_wait3A_363] : memref<204800x768xf32, #tpu.memory_space<hbm>> -> memref<16x768xf32, #tpu.memory_space<hbm>>
      %dma_wait3A_365 = arith.constant 0 : i32
      %dma_wait3A_366 = tpu.memref_slice %arg4[%add3A_362, %dma_wait3A_365] : memref<204800x768xf32, #tpu.memory_space<hbm>> -> memref<16x768xf32, #tpu.memory_space<hbm>>
      tpu.wait_dma2 semaphore(%arg27 : memref<!tpu.dma_semaphore, #tpu.memory_space<semaphore_mem>>) src(%arg11 : memref<16x768xf32, #tpu.memory_space<vmem>>) dst(%dma_wait3A_366 : memref<16x768xf32, #tpu.memory_space<hbm>>)
      %add3A_367 = arith.constant 8 : i32
      %add3A_368 = arith.addi %add3A_346, %add3A_367 : i32
      %mul3A_369 = arith.constant 16 : i32
      %mul3A_370 = arith.muli %add3A_368, %mul3A_369 : i32
      %dma_start3A_371 = tpu.memref_slice %arg5[%mul3A_370] : memref<6400xi32, #tpu.memory_space<vmem>> -> memref<16xi32, #tpu.memory_space<vmem>>
      %dma_start3A_372 = arith.constant 0 : i32
      %dma_start3A_373 = arith.constant 0 : i32
      %dma_start3A_374 = tpu.memref_slice %arg2[%dma_start3A_372, %dma_start3A_373] : memref<1000x768xf32, #tpu.memory_space<hbm>> -> memref<1000x768xf32, #tpu.memory_space<hbm>>
      tpu.enqueue_indirect_dma source(%dma_start3A_374 : memref<1000x768xf32, #tpu.memory_space<hbm>>) target(%arg11 : memref<16x768xf32, #tpu.memory_space<vmem>>) offsets(%dma_start3A_371 : memref<16xi32, #tpu.memory_space<vmem>>) semaphore(%arg19 : memref<!tpu.dma_semaphore, #tpu.memory_space<semaphore_mem>>)
      %mul3A_375 = arith.constant 8 : i32
      %mul3A_376 = arith.muli %mul3A_375, %scan3A_182 : i32
      %add3A_377 = arith.constant 6 : i32
      %add3A_378 = arith.addi %mul3A_376, %add3A_377 : i32
      %mul3A_379 = arith.constant 16 : i32
      %mul3A_380 = arith.muli %add3A_378, %mul3A_379 : i32
      %dma_wait3A_381 = tpu.memref_slice %arg5[%mul3A_380] : memref<6400xi32, #tpu.memory_space<vmem>> -> memref<16xi32, #tpu.memory_space<vmem>>
      %dma_wait3A_382 = arith.constant 0 : i32
      %dma_wait3A_383 = arith.constant 0 : i32
      %dma_wait3A_384 = tpu.memref_slice %arg2[%dma_wait3A_382, %dma_wait3A_383] : memref<1000x768xf32, #tpu.memory_space<hbm>> -> memref<1000x768xf32, #tpu.memory_space<hbm>>
      tpu.wait_indirect_dma semaphore(%arg20 : memref<!tpu.dma_semaphore, #tpu.memory_space<semaphore_mem>>) src(%dma_wait3A_384 : memref<1000x768xf32, #tpu.memory_space<hbm>>) dst(%arg12 : memref<16x768xf32, #tpu.memory_space<vmem>>)
      %mul3A_385 = arith.constant 16 : i32
      %mul3A_386 = arith.muli %add3A_378, %mul3A_385 : i32
      %add3A_387 = arith.addi %mul3A_2, %mul3A_386 : i32
      %dma_start3A_388 = arith.constant 0 : i32
      %dma_start3A_389 = tpu.memref_slice %arg4[%add3A_387, %dma_start3A_388] : memref<204800x768xf32, #tpu.memory_space<hbm>> -> memref<16x768xf32, #tpu.memory_space<hbm>>
      %dma_start3A_390 = arith.constant 0 : i32
      %dma_start3A_391 = tpu.memref_slice %arg4[%add3A_387, %dma_start3A_390] : memref<204800x768xf32, #tpu.memory_space<hbm>> -> memref<16x768xf32, #tpu.memory_space<hbm>>
      tpu.enqueue_dma source(%arg12 : memref<16x768xf32, #tpu.memory_space<vmem>>) target(%dma_start3A_391 : memref<16x768xf32, #tpu.memory_space<hbm>>) target_semaphore(%arg28 : memref<!tpu.dma_semaphore, #tpu.memory_space<semaphore_mem>>)
      %mul3A_392 = arith.constant 16 : i32
      %mul3A_393 = arith.muli %add3A_378, %mul3A_392 : i32
      %add3A_394 = arith.addi %mul3A_2, %mul3A_393 : i32
      %dma_wait3A_395 = arith.constant 0 : i32
      %dma_wait3A_396 = tpu.memref_slice %arg4[%add3A_394, %dma_wait3A_395] : memref<204800x768xf32, #tpu.memory_space<hbm>> -> memref<16x768xf32, #tpu.memory_space<hbm>>
      %dma_wait3A_397 = arith.constant 0 : i32
      %dma_wait3A_398 = tpu.memref_slice %arg4[%add3A_394, %dma_wait3A_397] : memref<204800x768xf32, #tpu.memory_space<hbm>> -> memref<16x768xf32, #tpu.memory_space<hbm>>
      tpu.wait_dma2 semaphore(%arg28 : memref<!tpu.dma_semaphore, #tpu.memory_space<semaphore_mem>>) src(%arg12 : memref<16x768xf32, #tpu.memory_space<vmem>>) dst(%dma_wait3A_398 : memref<16x768xf32, #tpu.memory_space<hbm>>)
      %add3A_399 = arith.constant 8 : i32
      %add3A_400 = arith.addi %add3A_378, %add3A_399 : i32
      %mul3A_401 = arith.constant 16 : i32
      %mul3A_402 = arith.muli %add3A_400, %mul3A_401 : i32
      %dma_start3A_403 = tpu.memref_slice %arg5[%mul3A_402] : memref<6400xi32, #tpu.memory_space<vmem>> -> memref<16xi32, #tpu.memory_space<vmem>>
      %dma_start3A_404 = arith.constant 0 : i32
      %dma_start3A_405 = arith.constant 0 : i32
      %dma_start3A_406 = tpu.memref_slice %arg2[%dma_start3A_404, %dma_start3A_405] : memref<1000x768xf32, #tpu.memory_space<hbm>> -> memref<1000x768xf32, #tpu.memory_space<hbm>>
      tpu.enqueue_indirect_dma source(%dma_start3A_406 : memref<1000x768xf32, #tpu.memory_space<hbm>>) target(%arg12 : memref<16x768xf32, #tpu.memory_space<vmem>>) offsets(%dma_start3A_403 : memref<16xi32, #tpu.memory_space<vmem>>) semaphore(%arg20 : memref<!tpu.dma_semaphore, #tpu.memory_space<semaphore_mem>>)
      %mul3A_407 = arith.constant 8 : i32
      %mul3A_408 = arith.muli %mul3A_407, %scan3A_182 : i32
      %add3A_409 = arith.constant 7 : i32
      %add3A_410 = arith.addi %mul3A_408, %add3A_409 : i32
      %mul3A_411 = arith.constant 16 : i32
      %mul3A_412 = arith.muli %add3A_410, %mul3A_411 : i32
      %dma_wait3A_413 = tpu.memref_slice %arg5[%mul3A_412] : memref<6400xi32, #tpu.memory_space<vmem>> -> memref<16xi32, #tpu.memory_space<vmem>>
      %dma_wait3A_414 = arith.constant 0 : i32
      %dma_wait3A_415 = arith.constant 0 : i32
      %dma_wait3A_416 = tpu.memref_slice %arg2[%dma_wait3A_414, %dma_wait3A_415] : memref<1000x768xf32, #tpu.memory_space<hbm>> -> memref<1000x768xf32, #tpu.memory_space<hbm>>
      tpu.wait_indirect_dma semaphore(%arg21 : memref<!tpu.dma_semaphore, #tpu.memory_space<semaphore_mem>>) src(%dma_wait3A_416 : memref<1000x768xf32, #tpu.memory_space<hbm>>) dst(%arg13 : memref<16x768xf32, #tpu.memory_space<vmem>>)
      %mul3A_417 = arith.constant 16 : i32
      %mul3A_418 = arith.muli %add3A_410, %mul3A_417 : i32
      %add3A_419 = arith.addi %mul3A_2, %mul3A_418 : i32
      %dma_start3A_420 = arith.constant 0 : i32
      %dma_start3A_421 = tpu.memref_slice %arg4[%add3A_419, %dma_start3A_420] : memref<204800x768xf32, #tpu.memory_space<hbm>> -> memref<16x768xf32, #tpu.memory_space<hbm>>
      %dma_start3A_422 = arith.constant 0 : i32
      %dma_start3A_423 = tpu.memref_slice %arg4[%add3A_419, %dma_start3A_422] : memref<204800x768xf32, #tpu.memory_space<hbm>> -> memref<16x768xf32, #tpu.memory_space<hbm>>
      tpu.enqueue_dma source(%arg13 : memref<16x768xf32, #tpu.memory_space<vmem>>) target(%dma_start3A_423 : memref<16x768xf32, #tpu.memory_space<hbm>>) target_semaphore(%arg29 : memref<!tpu.dma_semaphore, #tpu.memory_space<semaphore_mem>>)
      %mul3A_424 = arith.constant 16 : i32
      %mul3A_425 = arith.muli %add3A_410, %mul3A_424 : i32
      %add3A_426 = arith.addi %mul3A_2, %mul3A_425 : i32
      %dma_wait3A_427 = arith.constant 0 : i32
      %dma_wait3A_428 = tpu.memref_slice %arg4[%add3A_426, %dma_wait3A_427] : memref<204800x768xf32, #tpu.memory_space<hbm>> -> memref<16x768xf32, #tpu.memory_space<hbm>>
      %dma_wait3A_429 = arith.constant 0 : i32
      %dma_wait3A_430 = tpu.memref_slice %arg4[%add3A_426, %dma_wait3A_429] : memref<204800x768xf32, #tpu.memory_space<hbm>> -> memref<16x768xf32, #tpu.memory_space<hbm>>
      tpu.wait_dma2 semaphore(%arg29 : memref<!tpu.dma_semaphore, #tpu.memory_space<semaphore_mem>>) src(%arg13 : memref<16x768xf32, #tpu.memory_space<vmem>>) dst(%dma_wait3A_430 : memref<16x768xf32, #tpu.memory_space<hbm>>)
      %add3A_431 = arith.constant 8 : i32
      %add3A_432 = arith.addi %add3A_410, %add3A_431 : i32
      %mul3A_433 = arith.constant 16 : i32
      %mul3A_434 = arith.muli %add3A_432, %mul3A_433 : i32
      %dma_start3A_435 = tpu.memref_slice %arg5[%mul3A_434] : memref<6400xi32, #tpu.memory_space<vmem>> -> memref<16xi32, #tpu.memory_space<vmem>>
      %dma_start3A_436 = arith.constant 0 : i32
      %dma_start3A_437 = arith.constant 0 : i32
      %dma_start3A_438 = tpu.memref_slice %arg2[%dma_start3A_436, %dma_start3A_437] : memref<1000x768xf32, #tpu.memory_space<hbm>> -> memref<1000x768xf32, #tpu.memory_space<hbm>>
      tpu.enqueue_indirect_dma source(%dma_start3A_438 : memref<1000x768xf32, #tpu.memory_space<hbm>>) target(%arg13 : memref<16x768xf32, #tpu.memory_space<vmem>>) offsets(%dma_start3A_435 : memref<16xi32, #tpu.memory_space<vmem>>) semaphore(%arg21 : memref<!tpu.dma_semaphore, #tpu.memory_space<semaphore_mem>>)
    }
    %scan3A_46 = arith.constant 49 : i32
    %dma_wait3A = arith.constant 6272 : i32
    %dma_wait3A_47 = tpu.memref_slice %arg5[%dma_wait3A] : memref<6400xi32, #tpu.memory_space<vmem>> -> memref<16xi32, #tpu.memory_space<vmem>>
    %dma_wait3A_48 = arith.constant 0 : i32
    %dma_wait3A_49 = arith.constant 0 : i32
    %dma_wait3A_50 = tpu.memref_slice %arg2[%dma_wait3A_48, %dma_wait3A_49] : memref<1000x768xf32, #tpu.memory_space<hbm>> -> memref<1000x768xf32, #tpu.memory_space<hbm>>
    tpu.wait_indirect_dma semaphore(%arg14 : memref<!tpu.dma_semaphore, #tpu.memory_space<semaphore_mem>>) src(%dma_wait3A_50 : memref<1000x768xf32, #tpu.memory_space<hbm>>) dst(%arg6 : memref<16x768xf32, #tpu.memory_space<vmem>>)
    %add3A_51 = arith.constant 6272 : i32
    %add3A_52 = arith.addi %mul3A_2, %add3A_51 : i32
    %dma_start3A_53 = arith.constant 0 : i32
    %dma_start3A_54 = tpu.memref_slice %arg4[%add3A_52, %dma_start3A_53] : memref<204800x768xf32, #tpu.memory_space<hbm>> -> memref<16x768xf32, #tpu.memory_space<hbm>>
    %dma_start3A_55 = arith.constant 0 : i32
    %dma_start3A_56 = tpu.memref_slice %arg4[%add3A_52, %dma_start3A_55] : memref<204800x768xf32, #tpu.memory_space<hbm>> -> memref<16x768xf32, #tpu.memory_space<hbm>>
    tpu.enqueue_dma source(%arg6 : memref<16x768xf32, #tpu.memory_space<vmem>>) target(%dma_start3A_56 : memref<16x768xf32, #tpu.memory_space<hbm>>) target_semaphore(%arg22 : memref<!tpu.dma_semaphore, #tpu.memory_space<semaphore_mem>>)
    %add3A_57 = arith.constant 6272 : i32
    %add3A_58 = arith.addi %mul3A_2, %add3A_57 : i32
    %dma_wait3A_59 = arith.constant 0 : i32
    %dma_wait3A_60 = tpu.memref_slice %arg4[%add3A_58, %dma_wait3A_59] : memref<204800x768xf32, #tpu.memory_space<hbm>> -> memref<16x768xf32, #tpu.memory_space<hbm>>
    %dma_wait3A_61 = arith.constant 0 : i32
    %dma_wait3A_62 = tpu.memref_slice %arg4[%add3A_58, %dma_wait3A_61] : memref<204800x768xf32, #tpu.memory_space<hbm>> -> memref<16x768xf32, #tpu.memory_space<hbm>>
    tpu.wait_dma2 semaphore(%arg22 : memref<!tpu.dma_semaphore, #tpu.memory_space<semaphore_mem>>) src(%arg6 : memref<16x768xf32, #tpu.memory_space<vmem>>) dst(%dma_wait3A_62 : memref<16x768xf32, #tpu.memory_space<hbm>>)
    %dma_wait3A_63 = arith.constant 6288 : i32
    %dma_wait3A_64 = tpu.memref_slice %arg5[%dma_wait3A_63] : memref<6400xi32, #tpu.memory_space<vmem>> -> memref<16xi32, #tpu.memory_space<vmem>>
    %dma_wait3A_65 = arith.constant 0 : i32
    %dma_wait3A_66 = arith.constant 0 : i32
    %dma_wait3A_67 = tpu.memref_slice %arg2[%dma_wait3A_65, %dma_wait3A_66] : memref<1000x768xf32, #tpu.memory_space<hbm>> -> memref<1000x768xf32, #tpu.memory_space<hbm>>
    tpu.wait_indirect_dma semaphore(%arg15 : memref<!tpu.dma_semaphore, #tpu.memory_space<semaphore_mem>>) src(%dma_wait3A_67 : memref<1000x768xf32, #tpu.memory_space<hbm>>) dst(%arg7 : memref<16x768xf32, #tpu.memory_space<vmem>>)
    %add3A_68 = arith.constant 6288 : i32
    %add3A_69 = arith.addi %mul3A_2, %add3A_68 : i32
    %dma_start3A_70 = arith.constant 0 : i32
    %dma_start3A_71 = tpu.memref_slice %arg4[%add3A_69, %dma_start3A_70] : memref<204800x768xf32, #tpu.memory_space<hbm>> -> memref<16x768xf32, #tpu.memory_space<hbm>>
    %dma_start3A_72 = arith.constant 0 : i32
    %dma_start3A_73 = tpu.memref_slice %arg4[%add3A_69, %dma_start3A_72] : memref<204800x768xf32, #tpu.memory_space<hbm>> -> memref<16x768xf32, #tpu.memory_space<hbm>>
    tpu.enqueue_dma source(%arg7 : memref<16x768xf32, #tpu.memory_space<vmem>>) target(%dma_start3A_73 : memref<16x768xf32, #tpu.memory_space<hbm>>) target_semaphore(%arg23 : memref<!tpu.dma_semaphore, #tpu.memory_space<semaphore_mem>>)
    %add3A_74 = arith.constant 6288 : i32
    %add3A_75 = arith.addi %mul3A_2, %add3A_74 : i32
    %dma_wait3A_76 = arith.constant 0 : i32
    %dma_wait3A_77 = tpu.memref_slice %arg4[%add3A_75, %dma_wait3A_76] : memref<204800x768xf32, #tpu.memory_space<hbm>> -> memref<16x768xf32, #tpu.memory_space<hbm>>
    %dma_wait3A_78 = arith.constant 0 : i32
    %dma_wait3A_79 = tpu.memref_slice %arg4[%add3A_75, %dma_wait3A_78] : memref<204800x768xf32, #tpu.memory_space<hbm>> -> memref<16x768xf32, #tpu.memory_space<hbm>>
    tpu.wait_dma2 semaphore(%arg23 : memref<!tpu.dma_semaphore, #tpu.memory_space<semaphore_mem>>) src(%arg7 : memref<16x768xf32, #tpu.memory_space<vmem>>) dst(%dma_wait3A_79 : memref<16x768xf32, #tpu.memory_space<hbm>>)
    %dma_wait3A_80 = arith.constant 6304 : i32
    %dma_wait3A_81 = tpu.memref_slice %arg5[%dma_wait3A_80] : memref<6400xi32, #tpu.memory_space<vmem>> -> memref<16xi32, #tpu.memory_space<vmem>>
    %dma_wait3A_82 = arith.constant 0 : i32
    %dma_wait3A_83 = arith.constant 0 : i32
    %dma_wait3A_84 = tpu.memref_slice %arg2[%dma_wait3A_82, %dma_wait3A_83] : memref<1000x768xf32, #tpu.memory_space<hbm>> -> memref<1000x768xf32, #tpu.memory_space<hbm>>
    tpu.wait_indirect_dma semaphore(%arg16 : memref<!tpu.dma_semaphore, #tpu.memory_space<semaphore_mem>>) src(%dma_wait3A_84 : memref<1000x768xf32, #tpu.memory_space<hbm>>) dst(%arg8 : memref<16x768xf32, #tpu.memory_space<vmem>>)
    %add3A_85 = arith.constant 6304 : i32
    %add3A_86 = arith.addi %mul3A_2, %add3A_85 : i32
    %dma_start3A_87 = arith.constant 0 : i32
    %dma_start3A_88 = tpu.memref_slice %arg4[%add3A_86, %dma_start3A_87] : memref<204800x768xf32, #tpu.memory_space<hbm>> -> memref<16x768xf32, #tpu.memory_space<hbm>>
    %dma_start3A_89 = arith.constant 0 : i32
    %dma_start3A_90 = tpu.memref_slice %arg4[%add3A_86, %dma_start3A_89] : memref<204800x768xf32, #tpu.memory_space<hbm>> -> memref<16x768xf32, #tpu.memory_space<hbm>>
    tpu.enqueue_dma source(%arg8 : memref<16x768xf32, #tpu.memory_space<vmem>>) target(%dma_start3A_90 : memref<16x768xf32, #tpu.memory_space<hbm>>) target_semaphore(%arg24 : memref<!tpu.dma_semaphore, #tpu.memory_space<semaphore_mem>>)
    %add3A_91 = arith.constant 6304 : i32
    %add3A_92 = arith.addi %mul3A_2, %add3A_91 : i32
    %dma_wait3A_93 = arith.constant 0 : i32
    %dma_wait3A_94 = tpu.memref_slice %arg4[%add3A_92, %dma_wait3A_93] : memref<204800x768xf32, #tpu.memory_space<hbm>> -> memref<16x768xf32, #tpu.memory_space<hbm>>
    %dma_wait3A_95 = arith.constant 0 : i32
    %dma_wait3A_96 = tpu.memref_slice %arg4[%add3A_92, %dma_wait3A_95] : memref<204800x768xf32, #tpu.memory_space<hbm>> -> memref<16x768xf32, #tpu.memory_space<hbm>>
    tpu.wait_dma2 semaphore(%arg24 : memref<!tpu.dma_semaphore, #tpu.memory_space<semaphore_mem>>) src(%arg8 : memref<16x768xf32, #tpu.memory_space<vmem>>) dst(%dma_wait3A_96 : memref<16x768xf32, #tpu.memory_space<hbm>>)
    %dma_wait3A_97 = arith.constant 6320 : i32
    %dma_wait3A_98 = tpu.memref_slice %arg5[%dma_wait3A_97] : memref<6400xi32, #tpu.memory_space<vmem>> -> memref<16xi32, #tpu.memory_space<vmem>>
    %dma_wait3A_99 = arith.constant 0 : i32
    %dma_wait3A_100 = arith.constant 0 : i32
    %dma_wait3A_101 = tpu.memref_slice %arg2[%dma_wait3A_99, %dma_wait3A_100] : memref<1000x768xf32, #tpu.memory_space<hbm>> -> memref<1000x768xf32, #tpu.memory_space<hbm>>
    tpu.wait_indirect_dma semaphore(%arg17 : memref<!tpu.dma_semaphore, #tpu.memory_space<semaphore_mem>>) src(%dma_wait3A_101 : memref<1000x768xf32, #tpu.memory_space<hbm>>) dst(%arg9 : memref<16x768xf32, #tpu.memory_space<vmem>>)
    %add3A_102 = arith.constant 6320 : i32
    %add3A_103 = arith.addi %mul3A_2, %add3A_102 : i32
    %dma_start3A_104 = arith.constant 0 : i32
    %dma_start3A_105 = tpu.memref_slice %arg4[%add3A_103, %dma_start3A_104] : memref<204800x768xf32, #tpu.memory_space<hbm>> -> memref<16x768xf32, #tpu.memory_space<hbm>>
    %dma_start3A_106 = arith.constant 0 : i32
    %dma_start3A_107 = tpu.memref_slice %arg4[%add3A_103, %dma_start3A_106] : memref<204800x768xf32, #tpu.memory_space<hbm>> -> memref<16x768xf32, #tpu.memory_space<hbm>>
    tpu.enqueue_dma source(%arg9 : memref<16x768xf32, #tpu.memory_space<vmem>>) target(%dma_start3A_107 : memref<16x768xf32, #tpu.memory_space<hbm>>) target_semaphore(%arg25 : memref<!tpu.dma_semaphore, #tpu.memory_space<semaphore_mem>>)
    %add3A_108 = arith.constant 6320 : i32
    %add3A_109 = arith.addi %mul3A_2, %add3A_108 : i32
    %dma_wait3A_110 = arith.constant 0 : i32
    %dma_wait3A_111 = tpu.memref_slice %arg4[%add3A_109, %dma_wait3A_110] : memref<204800x768xf32, #tpu.memory_space<hbm>> -> memref<16x768xf32, #tpu.memory_space<hbm>>
    %dma_wait3A_112 = arith.constant 0 : i32
    %dma_wait3A_113 = tpu.memref_slice %arg4[%add3A_109, %dma_wait3A_112] : memref<204800x768xf32, #tpu.memory_space<hbm>> -> memref<16x768xf32, #tpu.memory_space<hbm>>
    tpu.wait_dma2 semaphore(%arg25 : memref<!tpu.dma_semaphore, #tpu.memory_space<semaphore_mem>>) src(%arg9 : memref<16x768xf32, #tpu.memory_space<vmem>>) dst(%dma_wait3A_113 : memref<16x768xf32, #tpu.memory_space<hbm>>)
    %dma_wait3A_114 = arith.constant 6336 : i32
    %dma_wait3A_115 = tpu.memref_slice %arg5[%dma_wait3A_114] : memref<6400xi32, #tpu.memory_space<vmem>> -> memref<16xi32, #tpu.memory_space<vmem>>
    %dma_wait3A_116 = arith.constant 0 : i32
    %dma_wait3A_117 = arith.constant 0 : i32
    %dma_wait3A_118 = tpu.memref_slice %arg2[%dma_wait3A_116, %dma_wait3A_117] : memref<1000x768xf32, #tpu.memory_space<hbm>> -> memref<1000x768xf32, #tpu.memory_space<hbm>>
    tpu.wait_indirect_dma semaphore(%arg18 : memref<!tpu.dma_semaphore, #tpu.memory_space<semaphore_mem>>) src(%dma_wait3A_118 : memref<1000x768xf32, #tpu.memory_space<hbm>>) dst(%arg10 : memref<16x768xf32, #tpu.memory_space<vmem>>)
    %add3A_119 = arith.constant 6336 : i32
    %add3A_120 = arith.addi %mul3A_2, %add3A_119 : i32
    %dma_start3A_121 = arith.constant 0 : i32
    %dma_start3A_122 = tpu.memref_slice %arg4[%add3A_120, %dma_start3A_121] : memref<204800x768xf32, #tpu.memory_space<hbm>> -> memref<16x768xf32, #tpu.memory_space<hbm>>
    %dma_start3A_123 = arith.constant 0 : i32
    %dma_start3A_124 = tpu.memref_slice %arg4[%add3A_120, %dma_start3A_123] : memref<204800x768xf32, #tpu.memory_space<hbm>> -> memref<16x768xf32, #tpu.memory_space<hbm>>
    tpu.enqueue_dma source(%arg10 : memref<16x768xf32, #tpu.memory_space<vmem>>) target(%dma_start3A_124 : memref<16x768xf32, #tpu.memory_space<hbm>>) target_semaphore(%arg26 : memref<!tpu.dma_semaphore, #tpu.memory_space<semaphore_mem>>)
    %add3A_125 = arith.constant 6336 : i32
    %add3A_126 = arith.addi %mul3A_2, %add3A_125 : i32
    %dma_wait3A_127 = arith.constant 0 : i32
    %dma_wait3A_128 = tpu.memref_slice %arg4[%add3A_126, %dma_wait3A_127] : memref<204800x768xf32, #tpu.memory_space<hbm>> -> memref<16x768xf32, #tpu.memory_space<hbm>>
    %dma_wait3A_129 = arith.constant 0 : i32
    %dma_wait3A_130 = tpu.memref_slice %arg4[%add3A_126, %dma_wait3A_129] : memref<204800x768xf32, #tpu.memory_space<hbm>> -> memref<16x768xf32, #tpu.memory_space<hbm>>
    tpu.wait_dma2 semaphore(%arg26 : memref<!tpu.dma_semaphore, #tpu.memory_space<semaphore_mem>>) src(%arg10 : memref<16x768xf32, #tpu.memory_space<vmem>>) dst(%dma_wait3A_130 : memref<16x768xf32, #tpu.memory_space<hbm>>)
    %dma_wait3A_131 = arith.constant 6352 : i32
    %dma_wait3A_132 = tpu.memref_slice %arg5[%dma_wait3A_131] : memref<6400xi32, #tpu.memory_space<vmem>> -> memref<16xi32, #tpu.memory_space<vmem>>
    %dma_wait3A_133 = arith.constant 0 : i32
    %dma_wait3A_134 = arith.constant 0 : i32
    %dma_wait3A_135 = tpu.memref_slice %arg2[%dma_wait3A_133, %dma_wait3A_134] : memref<1000x768xf32, #tpu.memory_space<hbm>> -> memref<1000x768xf32, #tpu.memory_space<hbm>>
    tpu.wait_indirect_dma semaphore(%arg19 : memref<!tpu.dma_semaphore, #tpu.memory_space<semaphore_mem>>) src(%dma_wait3A_135 : memref<1000x768xf32, #tpu.memory_space<hbm>>) dst(%arg11 : memref<16x768xf32, #tpu.memory_space<vmem>>)
    %add3A_136 = arith.constant 6352 : i32
    %add3A_137 = arith.addi %mul3A_2, %add3A_136 : i32
    %dma_start3A_138 = arith.constant 0 : i32
    %dma_start3A_139 = tpu.memref_slice %arg4[%add3A_137, %dma_start3A_138] : memref<204800x768xf32, #tpu.memory_space<hbm>> -> memref<16x768xf32, #tpu.memory_space<hbm>>
    %dma_start3A_140 = arith.constant 0 : i32
    %dma_start3A_141 = tpu.memref_slice %arg4[%add3A_137, %dma_start3A_140] : memref<204800x768xf32, #tpu.memory_space<hbm>> -> memref<16x768xf32, #tpu.memory_space<hbm>>
    tpu.enqueue_dma source(%arg11 : memref<16x768xf32, #tpu.memory_space<vmem>>) target(%dma_start3A_141 : memref<16x768xf32, #tpu.memory_space<hbm>>) target_semaphore(%arg27 : memref<!tpu.dma_semaphore, #tpu.memory_space<semaphore_mem>>)
    %add3A_142 = arith.constant 6352 : i32
    %add3A_143 = arith.addi %mul3A_2, %add3A_142 : i32
    %dma_wait3A_144 = arith.constant 0 : i32
    %dma_wait3A_145 = tpu.memref_slice %arg4[%add3A_143, %dma_wait3A_144] : memref<204800x768xf32, #tpu.memory_space<hbm>> -> memref<16x768xf32, #tpu.memory_space<hbm>>
    %dma_wait3A_146 = arith.constant 0 : i32
    %dma_wait3A_147 = tpu.memref_slice %arg4[%add3A_143, %dma_wait3A_146] : memref<204800x768xf32, #tpu.memory_space<hbm>> -> memref<16x768xf32, #tpu.memory_space<hbm>>
    tpu.wait_dma2 semaphore(%arg27 : memref<!tpu.dma_semaphore, #tpu.memory_space<semaphore_mem>>) src(%arg11 : memref<16x768xf32, #tpu.memory_space<vmem>>) dst(%dma_wait3A_147 : memref<16x768xf32, #tpu.memory_space<hbm>>)
    %dma_wait3A_148 = arith.constant 6368 : i32
    %dma_wait3A_149 = tpu.memref_slice %arg5[%dma_wait3A_148] : memref<6400xi32, #tpu.memory_space<vmem>> -> memref<16xi32, #tpu.memory_space<vmem>>
    %dma_wait3A_150 = arith.constant 0 : i32
    %dma_wait3A_151 = arith.constant 0 : i32
    %dma_wait3A_152 = tpu.memref_slice %arg2[%dma_wait3A_150, %dma_wait3A_151] : memref<1000x768xf32, #tpu.memory_space<hbm>> -> memref<1000x768xf32, #tpu.memory_space<hbm>>
    tpu.wait_indirect_dma semaphore(%arg20 : memref<!tpu.dma_semaphore, #tpu.memory_space<semaphore_mem>>) src(%dma_wait3A_152 : memref<1000x768xf32, #tpu.memory_space<hbm>>) dst(%arg12 : memref<16x768xf32, #tpu.memory_space<vmem>>)
    %add3A_153 = arith.constant 6368 : i32
    %add3A_154 = arith.addi %mul3A_2, %add3A_153 : i32
    %dma_start3A_155 = arith.constant 0 : i32
    %dma_start3A_156 = tpu.memref_slice %arg4[%add3A_154, %dma_start3A_155] : memref<204800x768xf32, #tpu.memory_space<hbm>> -> memref<16x768xf32, #tpu.memory_space<hbm>>
    %dma_start3A_157 = arith.constant 0 : i32
    %dma_start3A_158 = tpu.memref_slice %arg4[%add3A_154, %dma_start3A_157] : memref<204800x768xf32, #tpu.memory_space<hbm>> -> memref<16x768xf32, #tpu.memory_space<hbm>>
    tpu.enqueue_dma source(%arg12 : memref<16x768xf32, #tpu.memory_space<vmem>>) target(%dma_start3A_158 : memref<16x768xf32, #tpu.memory_space<hbm>>) target_semaphore(%arg28 : memref<!tpu.dma_semaphore, #tpu.memory_space<semaphore_mem>>)
    %add3A_159 = arith.constant 6368 : i32
    %add3A_160 = arith.addi %mul3A_2, %add3A_159 : i32
    %dma_wait3A_161 = arith.constant 0 : i32
    %dma_wait3A_162 = tpu.memref_slice %arg4[%add3A_160, %dma_wait3A_161] : memref<204800x768xf32, #tpu.memory_space<hbm>> -> memref<16x768xf32, #tpu.memory_space<hbm>>
    %dma_wait3A_163 = arith.constant 0 : i32
    %dma_wait3A_164 = tpu.memref_slice %arg4[%add3A_160, %dma_wait3A_163] : memref<204800x768xf32, #tpu.memory_space<hbm>> -> memref<16x768xf32, #tpu.memory_space<hbm>>
    tpu.wait_dma2 semaphore(%arg28 : memref<!tpu.dma_semaphore, #tpu.memory_space<semaphore_mem>>) src(%arg12 : memref<16x768xf32, #tpu.memory_space<vmem>>) dst(%dma_wait3A_164 : memref<16x768xf32, #tpu.memory_space<hbm>>)
    %dma_wait3A_165 = arith.constant 6384 : i32
    %dma_wait3A_166 = tpu.memref_slice %arg5[%dma_wait3A_165] : memref<6400xi32, #tpu.memory_space<vmem>> -> memref<16xi32, #tpu.memory_space<vmem>>
    %dma_wait3A_167 = arith.constant 0 : i32
    %dma_wait3A_168 = arith.constant 0 : i32
    %dma_wait3A_169 = tpu.memref_slice %arg2[%dma_wait3A_167, %dma_wait3A_168] : memref<1000x768xf32, #tpu.memory_space<hbm>> -> memref<1000x768xf32, #tpu.memory_space<hbm>>
    tpu.wait_indirect_dma semaphore(%arg21 : memref<!tpu.dma_semaphore, #tpu.memory_space<semaphore_mem>>) src(%dma_wait3A_169 : memref<1000x768xf32, #tpu.memory_space<hbm>>) dst(%arg13 : memref<16x768xf32, #tpu.memory_space<vmem>>)
    %add3A_170 = arith.constant 6384 : i32
    %add3A_171 = arith.addi %mul3A_2, %add3A_170 : i32
    %dma_start3A_172 = arith.constant 0 : i32
    %dma_start3A_173 = tpu.memref_slice %arg4[%add3A_171, %dma_start3A_172] : memref<204800x768xf32, #tpu.memory_space<hbm>> -> memref<16x768xf32, #tpu.memory_space<hbm>>
    %dma_start3A_174 = arith.constant 0 : i32
    %dma_start3A_175 = tpu.memref_slice %arg4[%add3A_171, %dma_start3A_174] : memref<204800x768xf32, #tpu.memory_space<hbm>> -> memref<16x768xf32, #tpu.memory_space<hbm>>
    tpu.enqueue_dma source(%arg13 : memref<16x768xf32, #tpu.memory_space<vmem>>) target(%dma_start3A_175 : memref<16x768xf32, #tpu.memory_space<hbm>>) target_semaphore(%arg29 : memref<!tpu.dma_semaphore, #tpu.memory_space<semaphore_mem>>)
    %add3A_176 = arith.constant 6384 : i32
    %add3A_177 = arith.addi %mul3A_2, %add3A_176 : i32
    %dma_wait3A_178 = arith.constant 0 : i32
    %dma_wait3A_179 = tpu.memref_slice %arg4[%add3A_177, %dma_wait3A_178] : memref<204800x768xf32, #tpu.memory_space<hbm>> -> memref<16x768xf32, #tpu.memory_space<hbm>>
    %dma_wait3A_180 = arith.constant 0 : i32
    %dma_wait3A_181 = tpu.memref_slice %arg4[%add3A_177, %dma_wait3A_180] : memref<204800x768xf32, #tpu.memory_space<hbm>> -> memref<16x768xf32, #tpu.memory_space<hbm>>
    tpu.wait_dma2 semaphore(%arg29 : memref<!tpu.dma_semaphore, #tpu.memory_space<semaphore_mem>>) src(%arg13 : memref<16x768xf32, #tpu.memory_space<vmem>>) dst(%dma_wait3A_181 : memref<16x768xf32, #tpu.memory_space<hbm>>)
    return
  }
}

</mosaic_0001>

<sc_bundles>
// kernel: kernel.3.cloned.1.call-start
scs
__scs_entry_jumppad:
0x0: {  	(pc) =	sbr.rel $0x88, $3  }
0x1: {  	(tag) =	ssettag $0x0;
	lr =	simm.s32 $0x1  }
0x2: {  	[smem:$0x3F9F] =	sst lr;
	_ =	strace $0xD0000000  }
0x3: {  	_ = 	snop  }
0x4: {  	_ = 	snop  }
0x5: {  	_ = 	snop  }
0x6: {  	_ = 	snop  }
0x7: {  	_ = 	snop  }
__scs_overlays_trampoline_lowered:
0x8: {  	[smem:$0x3FAE] =	sst s0  }
0x9: {  	[smem:$0x3FAF] =	sst s1  }
0xa: {  	[smem:$0x3FB0] =	sst s2  }
0xb: {  	[smem:$0x3FB1] =	sst s3  }
0xc: {  	[smem:$0x3FB2] =	sst s4  }
0xd: {  	[smem:$0x3FB3] =	sst s5  }
0xe: {  	[smem:$0x3FB4] =	sst s6  }
0xf: {  	[smem:$0x3FB5] =	sst s7  }
0x10: {  	[smem:$0x3FB6] =	sst s8  }
0x11: {  	[smem:$0x3FB7] =	sst s9;
	s0 =	simm.s32 @!p0 $0x0  }
0x12: {  	s1 =	sld [smem:$0x3F9D];
	s0 =	simm.s32 @p0 $0x1  }
0x13: {  	[smem:$0x3FB8] =	sst s0;
	s0 =	simm.s32 @!p1 $0x0  }
0x14: {  	s2 =	sld [smem:$0x3F9C];
	s0 =	simm.s32 @p1 $0x1  }
0x15: {  	[smem:$0x3FB9] =	sst s0;
	s0 =	simm.s32 @!p2 $0x0  }
0x16: {  	s3 =	sld [smem:$0x3FDB];
	s0 =	simm.s32 @p2 $0x1  }
0x17: {  	s4 =	simm.s32 $0x1BF5;
	[smem:$0x3FBB] =	sst s0  }
0x18: {  	s0 =	sld [smem:$0x3F9E];
	_ =	swait.ge [sflag:s4], $0x0  }
0x19: {  	s7 =	sld [smem:$0x3F9F]  }
0x1a: {  	s8 =	sadd.s32 $0xFFFFE003, lr  }
0x1b: {  	s9 =	sadd.s32 $0xFFFFFEF7, lr;
	s5 =	simm.s32 $0xFFFFFFFF;
	p2 =	slt.u32 s8, $0xFFFFF086  }
0x1c: {  	p1 =	slt.u32 s9, $0xF7A;
	s5 =	simm.s32 @!p2 $0x0  }
0x1d: {  	s5 =	simm.s32 @p1 $0x1;
	p0 =	seq.s32 s7, s2  }
0x1e: {  	s7 =	smul.u32 @!p0 $0xF7A, s2;
	p2 =	seq.s32 @!p0 s5, $0x0  }
0x1f: {  	s9 =	smul.u32 $0xF7A, s1;
	s8 =	simm.s32 @!p0 $0x1BF5;
	p2 =	por !p2, p0  }
0x20: {  	[sflag:s8] =	ssyncset.s32 @!p0 $0xFFFFF086;
	s6 =	sadd.s32 @!p0 s3, s7;
	s7 =	simm.s32 @!p0 $0x108  }
0x21: {  	s3 =	sadd.s32 s3, s9;
	s6 =	sadd.s32 @!p0 $0x88, s6;
	s7 =	simm.s32 @p2 $0x1082  }
0x22: {  	[simem:s7], [sflag:s8] =	dma.local @!p0 [hbm:s6], $0xF7A  }
0x23: {  	s9 =	sor.u32 $0xD0000000, s2;
	s6 =	simm.s32 $0x108;
	_ =	swait.ge @!p0 [sflag:s8], $0x0  }
0x24: {  	s3 =	sadd.s32 $0x88, s3;
	s6 =	simm.s32 @!p1 $0x1082;
	[sflag:s4] =	ssyncset.s32 $0xFFFFF086  }
0x25: {  	[simem:s6], [sflag:s4] =	dma.local [hbm:s3], $0xF7A  }
0x26: {  	[smem:$0x3F9F] =	sst s1;
	(tag) =	ssettag s2;
	_ =	strace s9  }
0x27: {  	s1 =	sld [smem:$0x3FAF]  }
0x28: {  	s2 =	sld [smem:$0x3FB0]  }
0x29: {  	s4 =	sld [smem:$0x3FB2]  }
0x2a: {  	p0 =	seq.s32 s5, $0x0;
	s5 =	sld [smem:$0x3FB3]  }
0x2b: {  	s6 =	sld [smem:$0x3FB4]  }
0x2c: {  	s7 =	sld [smem:$0x3FB5]  }
0x2d: {  	s3 =	simm.s32 $0x108;
	s8 =	sld [smem:$0x3FB6]  }
0x2e: {  	s3 =	simm.s32 @!p0 $0x1082;
	s9 =	sld [smem:$0x3FB7]  }
0x2f: {  	lr =	sadd.s32 s0, s3;
	s0 =	sld [smem:$0x3FAE]  }
0x30: {  	s3 =	sld [smem:$0x3FB1]  }
0x31: {  	[smem:$0x3FBA] =	sst s10  }
0x32: {  	s10 =	sld [smem:$0x3FB8];
	_ =	sdelay $0x3  }
0x33: {  	p0 =	seq.s32 s10, $0x1;
	s10 =	sld [smem:$0x3FBA];
	_ =	sdelay $0x3  }
0x34: {  	[smem:$0x3FBA] =	sst s10  }
0x35: {  	s10 =	sld [smem:$0x3FB9];
	_ =	sdelay $0x3  }
0x36: {  	p1 =	seq.s32 s10, $0x1;
	s10 =	sld [smem:$0x3FBA];
	_ =	sdelay $0x3  }
0x37: {  	[smem:$0x3FBA] =	sst s10  }
0x38: {  	s10 =	sld [smem:$0x3FBB]  }
0x39: {  	_ = 	snop;
	(pc) =	sbr.ind lr, $3  }
0x3a: {  	_ = 	snop  }
0x3b: {  	_ = 	snop  }
0x3c: {  	p2 =	seq.s32 s10, $0x1;
	s10 =	sld [smem:$0x3FBA]  }
0x3d: {  	_ =	shalt  }
0x3e: {  	_ =	shalt  }
0x3f: {  	_ =	shalt  }
0x40: {  	_ =	shalt  }
0x41: {  	_ =	shalt  }
0x42: {  	_ =	shalt  }
0x43: {  	_ =	shalt  }
0x44: {  	_ =	shalt  }
0x45: {  	_ =	shalt  }
0x46: {  	_ =	shalt  }
0x47: {  	_ =	shalt  }
0x48: {  	_ =	shalt  }
0x49: {  	_ =	shalt  }
0x4a: {  	_ =	shalt  }
0x4b: {  	_ =	shalt  }
0x4c: {  	_ =	shalt  }
0x4d: {  	_ =	shalt  }
0x4e: {  	_ =	shalt  }
0x4f: {  	_ =	shalt  }
0x50: {  	_ =	shalt  }
0x51: {  	_ =	shalt  }
0x52: {  	_ =	shalt  }
0x53: {  	_ =	shalt  }
0x54: {  	_ =	shalt  }
0x55: {  	_ =	shalt  }
0x56: {  	_ =	shalt  }
0x57: {  	_ =	shalt  }
0x58: {  	_ =	shalt  }
0x59: {  	_ =	shalt  }
0x5a: {  	_ =	shalt  }
0x5b: {  	_ =	shalt  }
0x5c: {  	_ =	shalt  }
0x5d: {  	_ =	shalt  }
0x5e: {  	_ =	shalt  }
0x5f: {  	_ =	shalt  }
0x60: {  	_ =	shalt  }
0x61: {  	_ =	shalt  }
0x62: {  	_ =	shalt  }
0x63: {  	_ =	shalt  }
0x64: {  	_ =	shalt  }
0x65: {  	_ =	shalt  }
0x66: {  	_ =	shalt  }
0x67: {  	_ =	shalt  }
0x68: {  	_ =	shalt  }
0x69: {  	_ =	shalt  }
0x6a: {  	_ =	shalt  }
0x6b: {  	_ =	shalt  }
0x6c: {  	_ =	shalt  }
0x6d: {  	_ =	shalt  }
0x6e: {  	_ =	shalt  }
0x6f: {  	_ =	shalt  }
0x70: {  	_ =	shalt  }
0x71: {  	_ =	shalt  }
0x72: {  	_ =	shalt  }
0x73: {  	_ =	shalt  }
0x74: {  	_ =	shalt  }
0x75: {  	_ =	shalt  }
0x76: {  	_ =	shalt  }
0x77: {  	_ =	shalt  }
0x78: {  	_ =	shalt  }
0x79: {  	_ =	shalt  }
0x7a: {  	_ =	shalt  }
0x7b: {  	_ =	shalt  }
0x7c: {  	_ =	shalt  }
0x7d: {  	_ =	shalt  }
0x7e: {  	_ =	shalt  }
0x7f: {  	_ =	shalt  }
0x80: {  	_ =	shalt  }
0x81: {  	_ =	shalt  }
0x82: {  	_ =	shalt  }
0x83: {  	_ =	shalt  }
0x84: {  	_ =	shalt  }
0x85: {  	_ =	shalt  }
0x86: {  	_ =	shalt  }
0x87: {  	_ =	shalt  }
.Lfunc_end0:
.L_simem_size_0:
called_computation_lowered:
.L_overlay_start_0:
0x88: {  	s2 =	sld [smem:$0x3FD9]  }
0x89: {  	s3 =	sld [smem:$0x3FFE];
	_ =	sdelay $0x1  }
0x8a: {  	s1 =	srdreg.scid  }
0x8b: {  	s0 =	sand.u32 $0x1, s1  }
0x8c: {  	s17 =	sshll.u32 s0, $0xA;
	s2 =	sadd.s32 s3, s2  }
0x8d: {  	s2 =	sadd.s32 s2, s17  }
0x8e: {  	[smem:$0x3FC6] =	sst s2  }
0x8f: {  	_ = 	snop  }
0x90: {  	s2 =	sld [smem:$0x3FC8]  }
0x91: {  	s18 =	sld [smem:$0x3FD0];
	(tm) =	ssettm $0x1  }
0x92: {  	s4 =	sld [smem:$0x3FFB];
	_ =	sdelay $0x3  }
0x93: {  	_ =	strace s4  }
0x94: {  	s4 =	sld [smem:$0x3FFC];
	_ =	sdelay $0x3  }
0x95: {  	_ =	strace s4  }
0x96: {  	s4 =	sld [smem:$0x3FFD];
	_ =	sdelay $0x3  }
0x97: {  	_ =	strace s4  }
0x98: {  	_ =	strace $0x8FFFFFFF  }
0x99: {  	s19 =	sld [smem:$0x3FDB];
	_ =	sdelay $0x1  }
0x9a: {  	s5 =	simm.s32 $_scs_section_size  }
0x9b: {  	s6 =	simm.s32 $_size__tile_overlayer_lowered;
	s7 =	simm.s32 $_tile_overlayer_lowered  }
0x9c: {  	s22 =	simm.s32 $0x1BFF;
	s21 =	sshll.u32 s7, $0x1;
	s4 =	sadd.s32 s5, s19  }
0x9d: {  	s8 =	simm.s32 $0x0;
	s20 =	sshll.u32 s6, $0x1;
	s6 =	sadd.s32 s21, s4  }
0x9e: {  	[timem:s8], [sflag:s22] =	dma.local [hbm:s6], s20  }
0x9f: {  	_ =	swait.ge [sflag:s22], s20  }
0xa0: {  	s5 =	ssub.s32 $0x0, s20;
	[sflag:s22] =	ssyncset.done $0x0  }
0xa1: {  	[sflag:s22] =	ssyncadd.s32 s5;
	_ =	sdelay $0x1  }
0xa2: {  	s23 =	simm.s32 $0x1B8B  }
0xa3: {  	_ =	swait.ge [sflag:s23], $0x1  }
0xa4: {  	[sflag:s23] =	ssyncset.done $0x0  }
0xa5: {  	s25 =	simm.s32 $0x1B8E;
	s24 =	sld [smem:$0x3FFE];
	[sflag:s23] =	ssyncadd.s32 $0xFFFFFFFF  }
0xa6: {  	s26 =	simm.s32 $execute0_lowered;
	[smem:$0x3FD2] =	sst s25  }
0xa7: {  	s6 =	sshll.u32 s26, $0x1;
	_ =	strace $0x80000046;
	[dreg:$0x1] =	wrdreg $0xFFFFFFFF  }
0xa8: {  	s28 =	simm.s32 $_size_execute0_lowered;
	s4 =	sadd.s32 s4, s6;
	[dreg:$0x0] =	wrdreg $0x0  }
0xa9: {  	s6 =	sshll.u32 s28, $0x1;
	[dreg:$0x2] =	wrdreg s4  }
0xaa: {  	[dreg:$0x3] =	wrdreg s6  }
0xab: {  	[dreg:$0x4] =	wrdreg $0xC0  }
0xac: {  	_ =	task [dreg:s8], $0x5FFFF  }
0xad: {  	[dreg:$0x1] =	wrdreg $0xFFFFFFFF  }
0xae: {  	[dreg:$0x0] =	wrdreg $0x60  }
0xaf: {  	[dreg:$0x2] =	wrdreg s2  }
0xb0: {  	[dreg:$0x3] =	wrdreg s24  }
0xb1: {  	[dreg:$0x4] =	wrdreg s18  }
0xb2: {  	[dreg:$0x5] =	wrdreg $0x9  }
0xb3: {  	_ =	task.clear_ibuf [dreg:s8], $0x6FFFF;
	_ =	strace $0x90000046  }
0xb4: {  	s29 =	simm.s32 $0x9;
	_ =	strace $0x80000048  }
0xb5: {  	_ =	swait.ge [sflag:s29], $0x1  }
0xb6: {  	[sflag:s29] =	ssyncadd.s32 $0xFFFFFFFF  }
0xb7: {  	_ =	strace $0x90000048  }
0xb8: {  	_ =	sfence  }
0xb9: {  	s30 =	sld [smem:$0x0];
	_ =	sdelay $0x2  }
0xba: {  	s31 =	sshll.u32 s1, $0xD;
	s1 =	sshrl.u32 s1, $0x2  }
0xbb: {  	s3 =	sand.u32 $0x4000, s31;
	s1 =	sadd.s32 s1, s30  }
0xbc: {  	s0 =	sor.u32 s3, s0;
	s1 =	sshll.u32 s1, $0x11  }
0xbd: {  	s0 =	sor.u32 s1, s0  }
0xbe: {  	s0 =	sadd.s32 $0x8F2B, s0  }
0xbf: {  	[sflag:s0] =	ssyncadd.remote.s32 $0x1  }
0xc0: {  	_ =	sfence.sel $0xFFFF  }
0xc1: {  	[dreg:$0x0] =	wrdreg $0xFFFFFFFF;
	(pc) =	sbr.abs _section_cstart, $3  }
0xc2: {  	[dreg:$0x1] =	wrdreg $0xFFFFFFFF  }
0xc3: {  	_ =	task.clear_ibuf [dreg:s8], $0x2FFFF;
	_ =	strace $0x9FFFFFFF  }
0xc4: {  	(tm) =	ssettm $0x7FFFFFFF  }
0xc5: {  	_ =	shalt  }
tec
execute0_lowered:
.L_overlay_start_1:
0x0: {  	(tag) =	ssettag $0x1  }
0x1: {  	s0 =	srdreg.scid  }
0x2: {  	s9 =	stileid.u32;
	s1 =	rddreg [dreg:$0x0]  }
0x3: {  	s4 =	rddreg [dreg:$0x1];
	s30 =	simm.s32 $0x2900;
	s29 =	simm.s32 $0xB100  }
0x4: {  	s28 =	simm.s32 $0xA;
	s31 =	simm.s32 $0x3;
	s2 =	sand.u32 $0x1, s0  }
0x5: {  	s24 =	sshll.u32 s9, $0x1;
	s0 =	rddreg [dreg:$0x2];
	s9 =	smul.u32 $0x3200, s9  }
0x6: {  	s3 =	sor.u32 s2, s24;
	s6 =	ssub.s32 $0x2, s2;
	s2 =	smul.u32 $0x1900, s2  }
0x7: {  	s5 =	smul.u32 $0x1900, s3;
	s3 =	simm.s32 $0x0;
	s7 =	sshrl.u32 s6, $0x1  }
0x8: {  	[smem:$0x7FF] =	sst s3;
	s7 =	ssub.s32 s6, s7;
	s6 =	sadd.s32 $0x200, s1  }
0x9: {  	s2 =	sadd.s32 s2, s9;
	s5 =	sshrl.u32 s5, $0x3;
	_ =	strace $0x80000047  }
0xa: {  	s11 =	sshrl.u32 s2, $0x3;
	s9 =	sor.u32 $0x10, s2;
	s17 =	sor.u32 $0x40, s2  }
0xb: {  	s19 =	sor.u32 $0x50, s2;
	s8 =	smul.u32 $0x300, s5;
	s4 =	sadd.s32 s5, s4  }
0xc: {  	s20 =	sor.u32 $0x60, s2;
	s5 =	sadd.s32 $0x100, s1;
	s4 =	sadd.s32 $0x400, s4  }
0xd: {  	s9 =	sshrl.u32 s9, $0x3;
	[dreg:$0xc] =	wrdreg s4;
	s4 =	sadd.s32 s0, s8  }
0xe: {  	s18 =	sshrl.u32 s17, $0x3;
	s17 =	simm.s32 $0x4900;
	s8 =	sadd.s32 $0x93000, s4  }
0xf: {  	s9 =	smul.u32 $0x300, s9;
	s25 =	sadd.s32 $0x93600, s4;
	[dreg:$0xd] =	wrdreg s8  }
0x10: {  	s26 =	sadd.s32 $0x93C00, s4;
	s10 =	sadd.s32 $0x94200, s4;
	[dreg:$0xe] =	wrdreg s25  }
0x11: {  	s12 =	sadd.s32 s9, s0;
	s14 =	sadd.s32 $0x94800, s4;
	[dreg:$0xf] =	wrdreg s26  }
0x12: {  	s9 =	sshrl.u32 s19, $0x3;
	s22 =	sadd.s32 $0x94E00, s4;
	[dreg:$0x10] =	wrdreg s10  }
0x13: {  	s24 =	sadd.s32 $0x95400, s4;
	s19 =	simm.s32 $0x13900;
	[dreg:$0x11] =	wrdreg s14  }
0x14: {  	s8 =	smul.u32 $0x300, s11;
	s10 =	sor.u32 $0x20, s2;
	[dreg:$0x5] =	wrdreg s12  }
0x15: {  	s11 =	sor.u32 $0x30, s2;
	s9 =	smul.u32 $0x300, s9;
	[dreg:$0x12] =	wrdreg s22  }
0x16: {  	s2 =	sor.u32 $0x70, s2;
	[dreg:$0x13] =	wrdreg s24;
	s25 =	sadd.s32 $0x95A00, s4  }
0x17: {  	s26 =	smax.u32 s7, $0x1;
	s4 =	simm.s32 $0x2100;
	s7 =	simm.s32 $0x3100  }
0x18: {  	s14 =	simm.s32 $0xA900;
	s22 =	simm.s32 $0x17100;
	s24 =	simm.s32 $0x1  }
0x19: {  	s10 =	sshrl.u32 s10, $0x3;
	s11 =	sshrl.u32 s11, $0x3;
	[dreg:$0x14] =	wrdreg s25  }
0x1a: {  	s2 =	sshrl.u32 s2, $0x3;
	[dreg:$0x15] =	wrdreg s26;
	s10 =	smul.u32 $0x300, s10  }
0x1b: {  	s25 =	simm.s32 $0x9;
	s26 =	simm.s32 $0x2;
	s13 =	smul.u32 $0x300, s11  }
0x1c: {  	s8 =	sadd.s32 s8, s0;
	s21 =	sadd.s32 s9, s0;
	s2 =	smul.u32 $0x300, s2  }
0x1d: {  	s9 =	simm.s32 $0xE100;
	[dreg:$0x4] =	wrdreg s8;
	s8 =	smul.u32 $0x300, s18  }
0x1e: {  	[dreg:$0x9] =	wrdreg s21;
	s21 =	simm.s32 $0xD900;
	s18 =	simm.s32 $0x11100  }
0x1f: {  	s15 =	sadd.s32 s10, s0;
	s16 =	sadd.s32 s13, s0;
	s10 =	sshrl.u32 s20, $0x3  }
0x20: {  	s13 =	simm.s32 $0x4100;
	s20 =	simm.s32 $0x14100;
	[dreg:$0x6] =	wrdreg s15  }
0x21: {  	[dreg:$0x7] =	wrdreg s16;
	s8 =	sadd.s32 s8, s0;
	s10 =	smul.u32 $0x300, s10  }
0x22: {  	s16 =	simm.s32 $0x10900;
	s15 =	simm.s32 $0x16900;
	[dreg:$0x8] =	wrdreg s8  }
0x23: {  	v2 =	vlaneseq.u32;
	s8 =	simm.s32 $0x7900;
	s23 =	sadd.s32 s10, s0;
	s0 =	sadd.s32 s2, s0  }
0x24: {  	vm0 =	vmmov $0xffff;
	v1 =	vshrl.u32 v2, $0x3;
	s10 =	simm.s32 $0x3900;
	s2 =	simm.s32 $0x5100;
	[dreg:$0xa] =	wrdreg s23  }
0x25: {  	v0 =	vand.u32 $0x7, v2;
	v2 =	vor.u32 $0x8, v2;
	v1 =	vmul.u32 $0x8, v1;
	[dreg:$0xb] =	wrdreg s0;
	s23 =	simm.s32 $0x1900;
	s0 =	simm.s32 $0x0  }
.LBB2_1:
0x26: {  	[dreg:$0x16] =	wrdreg s0  }
0x27: {  	s12 =	rddreg [dreg:$0xc];
	s0 =	simm.s32 $0x11  }
0x28: {  	[tilespmem:s3], [sflag:$0x11] =	stream.linear.gather [hbm4b:s12+s3], $0x1900, $0x38;
	[tilespmem:$0x19900] =	vst v63  }
0x29: {  	_ =	swait.ge [sflag:s0], $0x1900  }
0x2a: {  	[sflag:s0] =	ssyncset.done $0x0  }
0x2b: {  	[sflag:s0] =	ssyncadd.s32 $0xFFFFE700  }
0x2c: {  	v3 =	vld [tilespmem:$0x0];
	_ =	sdelay $0x4  }
0x2d: {  	v4 =	vshrl.u32 v3, $0x3  }
0x2e: {  	v4 =	vmul.u32 $0x30, v4  }
0x2f: {  	v3 =	vand.u32 $0x7, v3  }
0x30: {  	v3 =	vor.u32 v3, v4  }
0x31: {  	v4 =	vperm.xlane v3, v0;
	_ =	sdelay $0x1  }
0x32: {  	v4 =	vadd.s32 v1, v4;
	_ =	sdelay $0x3  }
0x33: {  	v3 =	vperm.xlane v3, v2  }
0x34: {  	[tilespmem:s23], [sflag:$0x1] =	stream.indirect_vreg.gather [hbm4b:s1+s3], $0x80, v4, vm0, $0xb8;
	[tilespmem:$0x19900] =	vst v63  }
0x35: {  	v3 =	vadd.s32 v1, v3  }
0x36: {  	[tilespmem:s4], [sflag:$0x1] =	stream.indirect_vreg.gather [hbm4b:s5+s3], $0x80, v4, vm0, $0xb8;
	[tilespmem:$0x19900] =	vst v63  }
0x37: {  	_ = 	snop  }
0x38: {  	[tilespmem:s30], [sflag:$0x1] =	stream.indirect_vreg.gather [hbm4b:s6+s3], $0x80, v4, vm0, $0xb8;
	[tilespmem:$0x19900] =	vst v63  }
0x39: {  	_ = 	snop  }
0x3a: {  	[tilespmem:s7], [sflag:$0x1] =	stream.indirect_vreg.gather [hbm4b:s1+s3], $0x80, v3, vm0, $0xb8;
	[tilespmem:$0x19900] =	vst v63  }
0x3b: {  	_ = 	snop  }
0x3c: {  	[tilespmem:s10], [sflag:$0x1] =	stream.indirect_vreg.gather [hbm4b:s5+s3], $0x80, v3, vm0, $0xb8;
	[tilespmem:$0x19900] =	vst v63  }
0x3d: {  	_ = 	snop  }
0x3e: {  	[tilespmem:s13], [sflag:$0x1] =	stream.indirect_vreg.gather [hbm4b:s6+s3], $0x80, v3, vm0, $0xb8;
	[tilespmem:$0x19900] =	vst v63  }
0x3f: {  	v3 =	vld [tilespmem:$0x10];
	_ =	sdelay $0x4  }
0x40: {  	v57 =	vshrl.u32 v3, $0x3  }
0x41: {  	v4 =	vmul.u32 $0x30, v57  }
0x42: {  	v3 =	vand.u32 $0x7, v3  }
0x43: {  	v3 =	vor.u32 v3, v4  }
0x44: {  	v4 =	vperm.xlane v3, v0;
	_ =	sdelay $0x1  }
0x45: {  	v4 =	vadd.s32 v1, v4;
	_ =	sdelay $0x3  }
0x46: {  	v3 =	vperm.xlane v3, v2  }
0x47: {  	[tilespmem:s17], [sflag:$0x2] =	stream.indirect_vreg.gather [hbm4b:s1+s3], $0x80, v4, vm0, $0xb8;
	[tilespmem:$0x19900] =	vst v63  }
0x48: {  	v3 =	vadd.s32 v1, v3  }
0x49: {  	[tilespmem:s2], [sflag:$0x2] =	stream.indirect_vreg.gather [hbm4b:s5+s3], $0x80, v4, vm0, $0xb8;
	[tilespmem:$0x19900] =	vst v63  }
0x4a: {  	s4 =	simm.s32 $0x5900  }
0x4b: {  	[tilespmem:s4], [sflag:$0x2] =	stream.indirect_vreg.gather [hbm4b:s6+s3], $0x80, v4, vm0, $0xb8;
	[tilespmem:$0x19900] =	vst v63  }
0x4c: {  	s7 =	simm.s32 $0x6100  }
0x4d: {  	[tilespmem:s7], [sflag:$0x2] =	stream.indirect_vreg.gather [hbm4b:s1+s3], $0x80, v3, vm0, $0xb8;
	[tilespmem:$0x19900] =	vst v63  }
0x4e: {  	s10 =	simm.s32 $0x6900  }
0x4f: {  	[tilespmem:s10], [sflag:$0x2] =	stream.indirect_vreg.gather [hbm4b:s5+s3], $0x80, v3, vm0, $0xb8;
	[tilespmem:$0x19900] =	vst v63  }
0x50: {  	s11 =	simm.s32 $0x7100  }
0x51: {  	[tilespmem:s11], [sflag:$0x2] =	stream.indirect_vreg.gather [hbm4b:s6+s3], $0x80, v3, vm0, $0xb8;
	[tilespmem:$0x19900] =	vst v63  }
0x52: {  	v3 =	vld [tilespmem:$0x20];
	_ =	sdelay $0x4  }
0x53: {  	v58 =	vshrl.u32 v3, $0x3  }
0x54: {  	v4 =	vmul.u32 $0x30, v58  }
0x55: {  	v3 =	vand.u32 $0x7, v3  }
0x56: {  	v3 =	vor.u32 v3, v4  }
0x57: {  	v4 =	vperm.xlane v3, v0;
	_ =	sdelay $0x1  }
0x58: {  	v4 =	vadd.s32 v1, v4;
	_ =	sdelay $0x3  }
0x59: {  	v3 =	vperm.xlane v3, v2  }
0x5a: {  	[tilespmem:s8], [sflag:$0x3] =	stream.indirect_vreg.gather [hbm4b:s1+s3], $0x80, v4, vm0, $0xb8;
	[tilespmem:$0x19900] =	vst v63  }
0x5b: {  	s12 =	simm.s32 $0x8100;
	v3 =	vadd.s32 v1, v3  }
0x5c: {  	[tilespmem:s12], [sflag:$0x3] =	stream.indirect_vreg.gather [hbm4b:s5+s3], $0x80, v4, vm0, $0xb8;
	[tilespmem:$0x19900] =	vst v63  }
0x5d: {  	s13 =	simm.s32 $0x8900  }
0x5e: {  	[tilespmem:s13], [sflag:$0x3] =	stream.indirect_vreg.gather [hbm4b:s6+s3], $0x80, v4, vm0, $0xb8;
	[tilespmem:$0x19900] =	vst v63  }
0x5f: {  	s17 =	simm.s32 $0x9100  }
0x60: {  	[tilespmem:s17], [sflag:$0x3] =	stream.indirect_vreg.gather [hbm4b:s1+s3], $0x80, v3, vm0, $0xb8;
	[tilespmem:$0x19900] =	vst v63  }
0x61: {  	s23 =	simm.s32 $0x9900  }
0x62: {  	[tilespmem:s23], [sflag:$0x3] =	stream.indirect_vreg.gather [hbm4b:s5+s3], $0x80, v3, vm0, $0xb8;
	[tilespmem:$0x19900] =	vst v63  }
0x63: {  	s30 =	simm.s32 $0xA100  }
0x64: {  	[tilespmem:s30], [sflag:$0x3] =	stream.indirect_vreg.gather [hbm4b:s6+s3], $0x80, v3, vm0, $0xb8;
	[tilespmem:$0x19900] =	vst v63  }
0x65: {  	v3 =	vld [tilespmem:$0x30];
	_ =	sdelay $0x4  }
0x66: {  	v59 =	vshrl.u32 v3, $0x3  }
0x67: {  	v4 =	vmul.u32 $0x30, v59  }
0x68: {  	v3 =	vand.u32 $0x7, v3  }
0x69: {  	v3 =	vor.u32 v3, v4  }
0x6a: {  	v4 =	vperm.xlane v3, v0;
	_ =	sdelay $0x1  }
0x6b: {  	v4 =	vadd.s32 v1, v4;
	_ =	sdelay $0x3  }
0x6c: {  	v3 =	vperm.xlane v3, v2  }
0x6d: {  	[tilespmem:s14], [sflag:$0x4] =	stream.indirect_vreg.gather [hbm4b:s1+s3], $0x80, v4, vm0, $0xb8;
	[tilespmem:$0x19900] =	vst v63  }
0x6e: {  	v3 =	vadd.s32 v1, v3  }
0x6f: {  	[tilespmem:s29], [sflag:$0x4] =	stream.indirect_vreg.gather [hbm4b:s5+s3], $0x80, v4, vm0, $0xb8;
	[tilespmem:$0x19900] =	vst v63  }
0x70: {  	s2 =	simm.s32 $0xB900  }
0x71: {  	[tilespmem:s2], [sflag:$0x4] =	stream.indirect_vreg.gather [hbm4b:s6+s3], $0x80, v4, vm0, $0xb8;
	[tilespmem:$0x19900] =	vst v63  }
0x72: {  	s4 =	simm.s32 $0xC100  }
0x73: {  	[tilespmem:s4], [sflag:$0x4] =	stream.indirect_vreg.gather [hbm4b:s1+s3], $0x80, v3, vm0, $0xb8;
	[tilespmem:$0x19900] =	vst v63  }
0x74: {  	s7 =	simm.s32 $0xC900  }
0x75: {  	[tilespmem:s7], [sflag:$0x4] =	stream.indirect_vreg.gather [hbm4b:s5+s3], $0x80, v3, vm0, $0xb8;
	[tilespmem:$0x19900] =	vst v63  }
0x76: {  	s8 =	simm.s32 $0xD100  }
0x77: {  	[tilespmem:s8], [sflag:$0x4] =	stream.indirect_vreg.gather [hbm4b:s6+s3], $0x80, v3, vm0, $0xb8;
	[tilespmem:$0x19900] =	vst v63  }
0x78: {  	v3 =	vld [tilespmem:$0x40];
	_ =	sdelay $0x4  }
0x79: {  	v60 =	vshrl.u32 v3, $0x3  }
0x7a: {  	v4 =	vmul.u32 $0x30, v60  }
0x7b: {  	v3 =	vand.u32 $0x7, v3  }
0x7c: {  	v3 =	vor.u32 v3, v4  }
0x7d: {  	v4 =	vperm.xlane v3, v0;
	_ =	sdelay $0x1  }
0x7e: {  	v4 =	vadd.s32 v1, v4;
	_ =	sdelay $0x3  }
0x7f: {  	v3 =	vperm.xlane v3, v2  }
0x80: {  	[tilespmem:s21], [sflag:$0x5] =	stream.indirect_vreg.gather [hbm4b:s1+s3], $0x80, v4, vm0, $0xb8;
	[tilespmem:$0x19900] =	vst v63  }
0x81: {  	v3 =	vadd.s32 v1, v3  }
0x82: {  	[tilespmem:s9], [sflag:$0x5] =	stream.indirect_vreg.gather [hbm4b:s5+s3], $0x80, v4, vm0, $0xb8;
	[tilespmem:$0x19900] =	vst v63  }
0x83: {  	s9 =	simm.s32 $0xE900  }
0x84: {  	[tilespmem:s9], [sflag:$0x5] =	stream.indirect_vreg.gather [hbm4b:s6+s3], $0x80, v4, vm0, $0xb8;
	[tilespmem:$0x19900] =	vst v63  }
0x85: {  	s10 =	simm.s32 $0xF100  }
0x86: {  	[tilespmem:s10], [sflag:$0x5] =	stream.indirect_vreg.gather [hbm4b:s1+s3], $0x80, v3, vm0, $0xb8;
	[tilespmem:$0x19900] =	vst v63  }
0x87: {  	s11 =	simm.s32 $0xF900  }
0x88: {  	[tilespmem:s11], [sflag:$0x5] =	stream.indirect_vreg.gather [hbm4b:s5+s3], $0x80, v3, vm0, $0xb8;
	[tilespmem:$0x19900] =	vst v63  }
0x89: {  	s12 =	simm.s32 $0x10100  }
0x8a: {  	[tilespmem:s12], [sflag:$0x5] =	stream.indirect_vreg.gather [hbm4b:s6+s3], $0x80, v3, vm0, $0xb8;
	[tilespmem:$0x19900] =	vst v63  }
0x8b: {  	v3 =	vld [tilespmem:$0x50];
	_ =	sdelay $0x4  }
0x8c: {  	v61 =	vshrl.u32 v3, $0x3  }
0x8d: {  	v4 =	vmul.u32 $0x30, v61  }
0x8e: {  	v3 =	vand.u32 $0x7, v3  }
0x8f: {  	v3 =	vor.u32 v3, v4  }
0x90: {  	v4 =	vperm.xlane v3, v0;
	_ =	sdelay $0x1  }
0x91: {  	v4 =	vadd.s32 v1, v4;
	_ =	sdelay $0x3  }
0x92: {  	v3 =	vperm.xlane v3, v2  }
0x93: {  	[tilespmem:s16], [sflag:$0x6] =	stream.indirect_vreg.gather [hbm4b:s1+s3], $0x80, v4, vm0, $0xb8;
	[tilespmem:$0x19900] =	vst v63  }
0x94: {  	v3 =	vadd.s32 v1, v3  }
0x95: {  	[tilespmem:s18], [sflag:$0x6] =	stream.indirect_vreg.gather [hbm4b:s5+s3], $0x80, v4, vm0, $0xb8;
	[tilespmem:$0x19900] =	vst v63  }
0x96: {  	s13 =	simm.s32 $0x11900  }
0x97: {  	[tilespmem:s13], [sflag:$0x6] =	stream.indirect_vreg.gather [hbm4b:s6+s3], $0x80, v4, vm0, $0xb8;
	[tilespmem:$0x19900] =	vst v63  }
0x98: {  	s14 =	simm.s32 $0x12100  }
0x99: {  	[tilespmem:s14], [sflag:$0x6] =	stream.indirect_vreg.gather [hbm4b:s1+s3], $0x80, v3, vm0, $0xb8;
	[tilespmem:$0x19900] =	vst v63  }
0x9a: {  	s16 =	simm.s32 $0x12900  }
0x9b: {  	[tilespmem:s16], [sflag:$0x6] =	stream.indirect_vreg.gather [hbm4b:s5+s3], $0x80, v3, vm0, $0xb8;
	[tilespmem:$0x19900] =	vst v63  }
0x9c: {  	s17 =	simm.s32 $0x13100  }
0x9d: {  	[tilespmem:s17], [sflag:$0x6] =	stream.indirect_vreg.gather [hbm4b:s6+s3], $0x80, v3, vm0, $0xb8;
	[tilespmem:$0x19900] =	vst v63  }
0x9e: {  	v3 =	vld [tilespmem:$0x60];
	_ =	sdelay $0x4  }
0x9f: {  	v62 =	vshrl.u32 v3, $0x3  }
0xa0: {  	v4 =	vmul.u32 $0x30, v62  }
0xa1: {  	v3 =	vand.u32 $0x7, v3  }
0xa2: {  	v3 =	vor.u32 v3, v4  }
0xa3: {  	v4 =	vperm.xlane v3, v0;
	_ =	sdelay $0x1  }
0xa4: {  	v4 =	vadd.s32 v1, v4;
	_ =	sdelay $0x3  }
0xa5: {  	v3 =	vperm.xlane v3, v2  }
0xa6: {  	[tilespmem:s19], [sflag:$0x7] =	stream.indirect_vreg.gather [hbm4b:s1+s3], $0x80, v4, vm0, $0xb8;
	[tilespmem:$0x19900] =	vst v63  }
0xa7: {  	v3 =	vadd.s32 v1, v3  }
0xa8: {  	[tilespmem:s20], [sflag:$0x7] =	stream.indirect_vreg.gather [hbm4b:s5+s3], $0x80, v4, vm0, $0xb8;
	[tilespmem:$0x19900] =	vst v63  }
0xa9: {  	s18 =	simm.s32 $0x14900  }
0xaa: {  	[tilespmem:s18], [sflag:$0x7] =	stream.indirect_vreg.gather [hbm4b:s6+s3], $0x80, v4, vm0, $0xb8;
	[tilespmem:$0x19900] =	vst v63  }
0xab: {  	s19 =	simm.s32 $0x15100  }
0xac: {  	[tilespmem:s19], [sflag:$0x7] =	stream.indirect_vreg.gather [hbm4b:s1+s3], $0x80, v3, vm0, $0xb8;
	[tilespmem:$0x19900] =	vst v63  }
0xad: {  	s20 =	simm.s32 $0x15900  }
0xae: {  	[tilespmem:s20], [sflag:$0x7] =	stream.indirect_vreg.gather [hbm4b:s5+s3], $0x80, v3, vm0, $0xb8;
	[tilespmem:$0x19900] =	vst v63  }
0xaf: {  	s21 =	simm.s32 $0x16100  }
0xb0: {  	[tilespmem:s21], [sflag:$0x7] =	stream.indirect_vreg.gather [hbm4b:s6+s3], $0x80, v3, vm0, $0xb8;
	[tilespmem:$0x19900] =	vst v63  }
0xb1: {  	v3 =	vld [tilespmem:$0x70];
	_ =	sdelay $0x4  }
0xb2: {  	v63 =	vshrl.u32 v3, $0x3  }
0xb3: {  	v4 =	vmul.u32 $0x30, v63  }
0xb4: {  	v3 =	vand.u32 $0x7, v3  }
0xb5: {  	v3 =	vor.u32 v3, v4  }
0xb6: {  	v4 =	vperm.xlane v3, v0;
	_ =	sdelay $0x1  }
0xb7: {  	v4 =	vadd.s32 v1, v4;
	_ =	sdelay $0x3  }
0xb8: {  	v3 =	vperm.xlane v3, v2  }
0xb9: {  	[tilespmem:s15], [sflag:$0x8] =	stream.indirect_vreg.gather [hbm4b:s1+s3], $0x80, v4, vm0, $0xb8;
	[tilespmem:$0x19900] =	vst v63  }
0xba: {  	v3 =	vadd.s32 v1, v3  }
0xbb: {  	[tilespmem:s22], [sflag:$0x8] =	stream.indirect_vreg.gather [hbm4b:s5+s3], $0x80, v4, vm0, $0xb8;
	[tilespmem:$0x19900] =	vst v63  }
0xbc: {  	s0 =	simm.s32 $0x4;
	s22 =	simm.s32 $0x17900  }
0xbd: {  	[tilespmem:s22], [sflag:$0x8] =	stream.indirect_vreg.gather [hbm4b:s6+s3], $0x80, v4, vm0, $0xb8;
	[tilespmem:$0x19900] =	vst v63  }
0xbe: {  	s23 =	simm.s32 $0x18100;
	s30 =	simm.s32 $0x19100;
	s29 =	simm.s32 $0x18900  }
0xbf: {  	[tilespmem:s23], [sflag:$0x8] =	stream.indirect_vreg.gather [hbm4b:s1+s3], $0x80, v3, vm0, $0xb8;
	[tilespmem:$0x19900] =	vst v63  }
0xc0: {  	s2 =	simm.s32 $0xB;
	s4 =	simm.s32 $0xC;
	s7 =	simm.s32 $0x5  }
0xc1: {  	[tilespmem:s29], [sflag:$0x8] =	stream.indirect_vreg.gather [hbm4b:s5+s3], $0x80, v3, vm0, $0xb8;
	[tilespmem:$0x19900] =	vst v63  }
0xc2: {  	s10 =	simm.s32 $0xD;
	s12 =	simm.s32 $0xF0;
	s13 =	simm.s32 $0x0  }
0xc3: {  	[tilespmem:s30], [sflag:$0x8] =	stream.indirect_vreg.gather [hbm4b:s6+s3], $0x80, v3, vm0, $0xb8;
	[tilespmem:$0x19900] =	vst v63  }
.LBB2_2:
0xc4: {  	_ =	swait.ge [sflag:s24], $0x3000  }
0xc5: {  	s15 =	rddreg [dreg:$0x4];
	[sflag:s24] =	ssyncset.done $0x0  }
0xc6: {  	s30 =	simm.s32 $0x1900;
	[sflag:s24] =	ssyncadd.s32 $0xFFFFD000;
	s15 =	sadd.s32 s13, s15  }
0xc7: {  	[hbm4b:s15+s3] =	stream.linear.scatter [tilespmem:s30], [sflag:$0x9], $0x3000, $0x38;
	[tilespmem:$0x19900] =	vst v63  }
0xc8: {  	_ =	swait.ge [sflag:s25], $0x3000  }
0xc9: {  	[sflag:s25] =	ssyncset.done $0x0  }
0xca: {  	[sflag:s25] =	ssyncadd.s32 $0xFFFFD000  }
0xcb: {  	v3 =	vld [tilespmem:s12+$0xFFFFFF90];
	_ =	sdelay $0x4  }
0xcc: {  	v4 =	vshrl.u32 v3, $0x3  }
0xcd: {  	v4 =	vmul.u32 $0x30, v4  }
0xce: {  	v3 =	vand.u32 $0x7, v3  }
0xcf: {  	v3 =	vor.u32 v3, v4  }
0xd0: {  	v4 =	vperm.xlane v3, v0;
	_ =	sdelay $0x1  }
0xd1: {  	v4 =	vadd.s32 v1, v4;
	_ =	sdelay $0x3  }
0xd2: {  	v3 =	vperm.xlane v3, v2  }
0xd3: {  	[tilespmem:s30], [sflag:$0x1] =	stream.indirect_vreg.gather [hbm4b:s1+s3], $0x80, v4, vm0, $0xb8;
	[tilespmem:$0x19900] =	vst v63  }
0xd4: {  	s8 =	simm.s32 $0x2100;
	v3 =	vadd.s32 v1, v3  }
0xd5: {  	[tilespmem:s8], [sflag:$0x1] =	stream.indirect_vreg.gather [hbm4b:s5+s3], $0x80, v4, vm0, $0xb8;
	[tilespmem:$0x19900] =	vst v63  }
0xd6: {  	s30 =	simm.s32 $0x2900  }
0xd7: {  	[tilespmem:s30], [sflag:$0x1] =	stream.indirect_vreg.gather [hbm4b:s6+s3], $0x80, v4, vm0, $0xb8;
	[tilespmem:$0x19900] =	vst v63  }
0xd8: {  	s15 =	simm.s32 $0x3100  }
0xd9: {  	[tilespmem:s15], [sflag:$0x1] =	stream.indirect_vreg.gather [hbm4b:s1+s3], $0x80, v3, vm0, $0xb8;
	[tilespmem:$0x19900] =	vst v63  }
0xda: {  	s16 =	simm.s32 $0x3900  }
0xdb: {  	[tilespmem:s16], [sflag:$0x1] =	stream.indirect_vreg.gather [hbm4b:s5+s3], $0x80, v3, vm0, $0xb8;
	[tilespmem:$0x19900] =	vst v63  }
0xdc: {  	s17 =	simm.s32 $0x4100  }
0xdd: {  	[tilespmem:s17], [sflag:$0x1] =	stream.indirect_vreg.gather [hbm4b:s6+s3], $0x80, v3, vm0, $0xb8;
	[tilespmem:$0x19900] =	vst v63  }
0xde: {  	_ =	swait.ge [sflag:s26], $0x3000  }
0xdf: {  	s18 =	rddreg [dreg:$0x5];
	[sflag:s26] =	ssyncset.done $0x0  }
0xe0: {  	s19 =	simm.s32 $0x4900;
	[sflag:s26] =	ssyncadd.s32 $0xFFFFD000;
	s15 =	sadd.s32 s13, s18  }
0xe1: {  	[hbm4b:s15+s3] =	stream.linear.scatter [tilespmem:s19], [sflag:$0xA], $0x3000, $0x38;
	[tilespmem:$0x19900] =	vst v63  }
0xe2: {  	_ =	swait.ge [sflag:s28], $0x3000  }
0xe3: {  	[sflag:s28] =	ssyncset.done $0x0  }
0xe4: {  	[sflag:s28] =	ssyncadd.s32 $0xFFFFD000  }
0xe5: {  	v3 =	vld [tilespmem:s12+$0xFFFFFFA0];
	_ =	sdelay $0x4  }
0xe6: {  	v57 =	vshrl.u32 v3, $0x3  }
0xe7: {  	v4 =	vmul.u32 $0x30, v57  }
0xe8: {  	v3 =	vand.u32 $0x7, v3  }
0xe9: {  	v3 =	vor.u32 v3, v4  }
0xea: {  	v4 =	vperm.xlane v3, v0;
	_ =	sdelay $0x1  }
0xeb: {  	v4 =	vadd.s32 v1, v4;
	_ =	sdelay $0x3  }
0xec: {  	v3 =	vperm.xlane v3, v2  }
0xed: {  	[tilespmem:s19], [sflag:$0x2] =	stream.indirect_vreg.gather [hbm4b:s1+s3], $0x80, v4, vm0, $0xb8;
	[tilespmem:$0x19900] =	vst v63  }
0xee: {  	s20 =	simm.s32 $0x5100;
	v3 =	vadd.s32 v1, v3  }
0xef: {  	[tilespmem:s20], [sflag:$0x2] =	stream.indirect_vreg.gather [hbm4b:s5+s3], $0x80, v4, vm0, $0xb8;
	[tilespmem:$0x19900] =	vst v63  }
0xf0: {  	s21 =	simm.s32 $0x5900  }
0xf1: {  	[tilespmem:s21], [sflag:$0x2] =	stream.indirect_vreg.gather [hbm4b:s6+s3], $0x80, v4, vm0, $0xb8;
	[tilespmem:$0x19900] =	vst v63  }
0xf2: {  	s22 =	simm.s32 $0x6100  }
0xf3: {  	[tilespmem:s22], [sflag:$0x2] =	stream.indirect_vreg.gather [hbm4b:s1+s3], $0x80, v3, vm0, $0xb8;
	[tilespmem:$0x19900] =	vst v63  }
0xf4: {  	s9 =	simm.s32 $0x6900  }
0xf5: {  	[tilespmem:s9], [sflag:$0x2] =	stream.indirect_vreg.gather [hbm4b:s5+s3], $0x80, v3, vm0, $0xb8;
	[tilespmem:$0x19900] =	vst v63  }
0xf6: {  	s11 =	simm.s32 $0x7100  }
0xf7: {  	[tilespmem:s11], [sflag:$0x2] =	stream.indirect_vreg.gather [hbm4b:s6+s3], $0x80, v3, vm0, $0xb8;
	[tilespmem:$0x19900] =	vst v63  }
0xf8: {  	_ =	swait.ge [sflag:s31], $0x3000  }
0xf9: {  	s14 =	rddreg [dreg:$0x6];
	[sflag:s31] =	ssyncset.done $0x0  }
0xfa: {  	[sflag:s31] =	ssyncadd.s32 $0xFFFFD000;
	s15 =	sadd.s32 s13, s14;
	s14 =	simm.s32 $0x7900  }
0xfb: {  	[hbm4b:s15+s3] =	stream.linear.scatter [tilespmem:s14], [sflag:$0xB], $0x3000, $0x38;
	[tilespmem:$0x19900] =	vst v63  }
0xfc: {  	_ =	swait.ge [sflag:s2], $0x3000  }
0xfd: {  	[sflag:s2] =	ssyncset.done $0x0  }
0xfe: {  	[sflag:s2] =	ssyncadd.s32 $0xFFFFD000  }
0xff: {  	v3 =	vld [tilespmem:s12+$0xFFFFFFB0];
	_ =	sdelay $0x4  }
0x100: {  	v58 =	vshrl.u32 v3, $0x3  }
0x101: {  	v4 =	vmul.u32 $0x30, v58  }
0x102: {  	v3 =	vand.u32 $0x7, v3  }
0x103: {  	v3 =	vor.u32 v3, v4  }
0x104: {  	v4 =	vperm.xlane v3, v0;
	_ =	sdelay $0x1  }
0x105: {  	v4 =	vadd.s32 v1, v4;
	_ =	sdelay $0x3  }
0x106: {  	v3 =	vperm.xlane v3, v2  }
0x107: {  	[tilespmem:s14], [sflag:$0x3] =	stream.indirect_vreg.gather [hbm4b:s1+s3], $0x80, v4, vm0, $0xb8;
	[tilespmem:$0x19900] =	vst v63  }
0x108: {  	s9 =	simm.s32 $0x8100;
	v3 =	vadd.s32 v1, v3  }
0x109: {  	[tilespmem:s9], [sflag:$0x3] =	stream.indirect_vreg.gather [hbm4b:s5+s3], $0x80, v4, vm0, $0xb8;
	[tilespmem:$0x19900] =	vst v63  }
0x10a: {  	s16 =	simm.s32 $0x8900  }
0x10b: {  	[tilespmem:s16], [sflag:$0x3] =	stream.indirect_vreg.gather [hbm4b:s6+s3], $0x80, v4, vm0, $0xb8;
	[tilespmem:$0x19900] =	vst v63  }
0x10c: {  	s18 =	simm.s32 $0x9100  }
0x10d: {  	[tilespmem:s18], [sflag:$0x3] =	stream.indirect_vreg.gather [hbm4b:s1+s3], $0x80, v3, vm0, $0xb8;
	[tilespmem:$0x19900] =	vst v63  }
0x10e: {  	s19 =	simm.s32 $0x9900  }
0x10f: {  	[tilespmem:s19], [sflag:$0x3] =	stream.indirect_vreg.gather [hbm4b:s5+s3], $0x80, v3, vm0, $0xb8;
	[tilespmem:$0x19900] =	vst v63  }
0x110: {  	s20 =	simm.s32 $0xA100  }
0x111: {  	[tilespmem:s20], [sflag:$0x3] =	stream.indirect_vreg.gather [hbm4b:s6+s3], $0x80, v3, vm0, $0xb8;
	[tilespmem:$0x19900] =	vst v63  }
0x112: {  	_ =	swait.ge [sflag:s0], $0x3000  }
0x113: {  	s21 =	rddreg [dreg:$0x7];
	[sflag:s0] =	ssyncset.done $0x0  }
0x114: {  	s29 =	simm.s32 $0xA900;
	[sflag:s0] =	ssyncadd.s32 $0xFFFFD000;
	s15 =	sadd.s32 s13, s21  }
0x115: {  	[hbm4b:s15+s3] =	stream.linear.scatter [tilespmem:s29], [sflag:$0xC], $0x3000, $0x38;
	[tilespmem:$0x19900] =	vst v63  }
0x116: {  	_ =	swait.ge [sflag:s4], $0x3000  }
0x117: {  	[sflag:s4] =	ssyncset.done $0x0  }
0x118: {  	[sflag:s4] =	ssyncadd.s32 $0xFFFFD000  }
0x119: {  	v3 =	vld [tilespmem:s12+$0xFFFFFFC0];
	_ =	sdelay $0x4  }
0x11a: {  	v59 =	vshrl.u32 v3, $0x3  }
0x11b: {  	v4 =	vmul.u32 $0x30, v59  }
0x11c: {  	v3 =	vand.u32 $0x7, v3  }
0x11d: {  	v3 =	vor.u32 v3, v4  }
0x11e: {  	v4 =	vperm.xlane v3, v0;
	_ =	sdelay $0x1  }
0x11f: {  	v4 =	vadd.s32 v1, v4;
	_ =	sdelay $0x3  }
0x120: {  	v3 =	vperm.xlane v3, v2  }
0x121: {  	[tilespmem:s29], [sflag:$0x4] =	stream.indirect_vreg.gather [hbm4b:s1+s3], $0x80, v4, vm0, $0xb8;
	[tilespmem:$0x19900] =	vst v63  }
0x122: {  	v3 =	vadd.s32 v1, v3;
	s29 =	simm.s32 $0xB100  }
0x123: {  	[tilespmem:s29], [sflag:$0x4] =	stream.indirect_vreg.gather [hbm4b:s5+s3], $0x80, v4, vm0, $0xb8;
	[tilespmem:$0x19900] =	vst v63  }
0x124: {  	s22 =	simm.s32 $0xB900  }
0x125: {  	[tilespmem:s22], [sflag:$0x4] =	stream.indirect_vreg.gather [hbm4b:s6+s3], $0x80, v4, vm0, $0xb8;
	[tilespmem:$0x19900] =	vst v63  }
0x126: {  	s11 =	simm.s32 $0xC100  }
0x127: {  	[tilespmem:s11], [sflag:$0x4] =	stream.indirect_vreg.gather [hbm4b:s1+s3], $0x80, v3, vm0, $0xb8;
	[tilespmem:$0x19900] =	vst v63  }
0x128: {  	s15 =	simm.s32 $0xC900  }
0x129: {  	[tilespmem:s15], [sflag:$0x4] =	stream.indirect_vreg.gather [hbm4b:s5+s3], $0x80, v3, vm0, $0xb8;
	[tilespmem:$0x19900] =	vst v63  }
0x12a: {  	s16 =	simm.s32 $0xD100  }
0x12b: {  	[tilespmem:s16], [sflag:$0x4] =	stream.indirect_vreg.gather [hbm4b:s6+s3], $0x80, v3, vm0, $0xb8;
	[tilespmem:$0x19900] =	vst v63  }
0x12c: {  	_ =	swait.ge [sflag:s7], $0x3000  }
0x12d: {  	s18 =	rddreg [dreg:$0x8];
	[sflag:s7] =	ssyncset.done $0x0  }
0x12e: {  	s19 =	simm.s32 $0xD900;
	[sflag:s7] =	ssyncadd.s32 $0xFFFFD000;
	s15 =	sadd.s32 s13, s18  }
0x12f: {  	[hbm4b:s15+s3] =	stream.linear.scatter [tilespmem:s19], [sflag:$0xD], $0x3000, $0x38;
	[tilespmem:$0x19900] =	vst v63  }
0x130: {  	_ =	swait.ge [sflag:s10], $0x3000  }
0x131: {  	[sflag:s10] =	ssyncset.done $0x0  }
0x132: {  	[sflag:s10] =	ssyncadd.s32 $0xFFFFD000  }
0x133: {  	v3 =	vld [tilespmem:s12+$0xFFFFFFD0];
	_ =	sdelay $0x4  }
0x134: {  	v60 =	vshrl.u32 v3, $0x3  }
0x135: {  	v4 =	vmul.u32 $0x30, v60  }
0x136: {  	v3 =	vand.u32 $0x7, v3  }
0x137: {  	v3 =	vor.u32 v3, v4  }
0x138: {  	v4 =	vperm.xlane v3, v0;
	_ =	sdelay $0x1  }
0x139: {  	v4 =	vadd.s32 v1, v4;
	_ =	sdelay $0x3  }
0x13a: {  	v3 =	vperm.xlane v3, v2  }
0x13b: {  	[tilespmem:s19], [sflag:$0x5] =	stream.indirect_vreg.gather [hbm4b:s1+s3], $0x80, v4, vm0, $0xb8;
	[tilespmem:$0x19900] =	vst v63  }
0x13c: {  	s9 =	simm.s32 $0xE100;
	v3 =	vadd.s32 v1, v3  }
0x13d: {  	[tilespmem:s9], [sflag:$0x5] =	stream.indirect_vreg.gather [hbm4b:s5+s3], $0x80, v4, vm0, $0xb8;
	[tilespmem:$0x19900] =	vst v63  }
0x13e: {  	s20 =	simm.s32 $0xE900  }
0x13f: {  	[tilespmem:s20], [sflag:$0x5] =	stream.indirect_vreg.gather [hbm4b:s6+s3], $0x80, v4, vm0, $0xb8;
	[tilespmem:$0x19900] =	vst v63  }
0x140: {  	s22 =	simm.s32 $0xF100  }
0x141: {  	[tilespmem:s22], [sflag:$0x5] =	stream.indirect_vreg.gather [hbm4b:s1+s3], $0x80, v3, vm0, $0xb8;
	[tilespmem:$0x19900] =	vst v63  }
0x142: {  	s11 =	simm.s32 $0xF900  }
0x143: {  	[tilespmem:s11], [sflag:$0x5] =	stream.indirect_vreg.gather [hbm4b:s5+s3], $0x80, v3, vm0, $0xb8;
	[tilespmem:$0x19900] =	vst v63  }
0x144: {  	s16 =	simm.s32 $0x10100;
	s11 =	simm.s32 $0x6  }
0x145: {  	[tilespmem:s16], [sflag:$0x5] =	stream.indirect_vreg.gather [hbm4b:s6+s3], $0x80, v3, vm0, $0xb8;
	[tilespmem:$0x19900] =	vst v63  }
0x146: {  	_ =	swait.ge [sflag:s11], $0x3000  }
0x147: {  	s19 =	simm.s32 $0xE;
	s18 =	rddreg [dreg:$0x9];
	[sflag:s11] =	ssyncset.done $0x0  }
0x148: {  	[sflag:s11] =	ssyncadd.s32 $0xFFFFD000;
	s15 =	sadd.s32 s13, s18;
	s18 =	simm.s32 $0x10900  }
0x149: {  	[hbm4b:s15+s3] =	stream.linear.scatter [tilespmem:s18], [sflag:$0xE], $0x3000, $0x38;
	[tilespmem:$0x19900] =	vst v63  }
0x14a: {  	_ =	swait.ge [sflag:s19], $0x3000  }
0x14b: {  	[sflag:s19] =	ssyncset.done $0x0  }
0x14c: {  	[sflag:s19] =	ssyncadd.s32 $0xFFFFD000  }
0x14d: {  	v3 =	vld [tilespmem:s12+$0xFFFFFFE0];
	_ =	sdelay $0x4  }
0x14e: {  	v61 =	vshrl.u32 v3, $0x3  }
0x14f: {  	v4 =	vmul.u32 $0x30, v61  }
0x150: {  	v3 =	vand.u32 $0x7, v3  }
0x151: {  	v3 =	vor.u32 v3, v4  }
0x152: {  	v4 =	vperm.xlane v3, v0;
	_ =	sdelay $0x1  }
0x153: {  	v4 =	vadd.s32 v1, v4;
	_ =	sdelay $0x3  }
0x154: {  	v3 =	vperm.xlane v3, v2  }
0x155: {  	[tilespmem:s18], [sflag:$0x6] =	stream.indirect_vreg.gather [hbm4b:s1+s3], $0x80, v4, vm0, $0xb8;
	[tilespmem:$0x19900] =	vst v63  }
0x156: {  	v3 =	vadd.s32 v1, v3;
	s18 =	simm.s32 $0x11100  }
0x157: {  	[tilespmem:s18], [sflag:$0x6] =	stream.indirect_vreg.gather [hbm4b:s5+s3], $0x80, v4, vm0, $0xb8;
	[tilespmem:$0x19900] =	vst v63  }
0x158: {  	s20 =	simm.s32 $0x11900  }
0x159: {  	[tilespmem:s20], [sflag:$0x6] =	stream.indirect_vreg.gather [hbm4b:s6+s3], $0x80, v4, vm0, $0xb8;
	[tilespmem:$0x19900] =	vst v63  }
0x15a: {  	s22 =	simm.s32 $0x12100  }
0x15b: {  	[tilespmem:s22], [sflag:$0x6] =	stream.indirect_vreg.gather [hbm4b:s1+s3], $0x80, v3, vm0, $0xb8;
	[tilespmem:$0x19900] =	vst v63  }
0x15c: {  	s11 =	simm.s32 $0x12900  }
0x15d: {  	[tilespmem:s11], [sflag:$0x6] =	stream.indirect_vreg.gather [hbm4b:s5+s3], $0x80, v3, vm0, $0xb8;
	[tilespmem:$0x19900] =	vst v63  }
0x15e: {  	s19 =	simm.s32 $0x13100  }
0x15f: {  	[tilespmem:s19], [sflag:$0x6] =	stream.indirect_vreg.gather [hbm4b:s6+s3], $0x80, v3, vm0, $0xb8;
	[tilespmem:$0x19900] =	vst v63  }
0x160: {  	s19 =	simm.s32 $0x7  }
0x161: {  	_ =	swait.ge [sflag:s19], $0x3000  }
0x162: {  	s22 =	simm.s32 $0xF;
	s20 =	rddreg [dreg:$0xa];
	[sflag:s19] =	ssyncset.done $0x0  }
0x163: {  	[sflag:s19] =	ssyncadd.s32 $0xFFFFD000;
	s15 =	sadd.s32 s13, s20;
	s20 =	simm.s32 $0x13900  }
0x164: {  	[hbm4b:s15+s3] =	stream.linear.scatter [tilespmem:s20], [sflag:$0xF], $0x3000, $0x38;
	[tilespmem:$0x19900] =	vst v63  }
0x165: {  	_ =	swait.ge [sflag:s22], $0x3000  }
0x166: {  	[sflag:s22] =	ssyncset.done $0x0  }
0x167: {  	[sflag:s22] =	ssyncadd.s32 $0xFFFFD000  }
0x168: {  	v3 =	vld [tilespmem:s12+$0xFFFFFFF0];
	_ =	sdelay $0x4  }
0x169: {  	v62 =	vshrl.u32 v3, $0x3  }
0x16a: {  	v4 =	vmul.u32 $0x30, v62  }
0x16b: {  	v3 =	vand.u32 $0x7, v3  }
0x16c: {  	v3 =	vor.u32 v3, v4  }
0x16d: {  	v4 =	vperm.xlane v3, v0;
	_ =	sdelay $0x1  }
0x16e: {  	v4 =	vadd.s32 v1, v4;
	_ =	sdelay $0x3  }
0x16f: {  	v3 =	vperm.xlane v3, v2  }
0x170: {  	[tilespmem:s20], [sflag:$0x7] =	stream.indirect_vreg.gather [hbm4b:s1+s3], $0x80, v4, vm0, $0xb8;
	[tilespmem:$0x19900] =	vst v63  }
0x171: {  	v3 =	vadd.s32 v1, v3;
	s20 =	simm.s32 $0x14100  }
0x172: {  	[tilespmem:s20], [sflag:$0x7] =	stream.indirect_vreg.gather [hbm4b:s5+s3], $0x80, v4, vm0, $0xb8;
	[tilespmem:$0x19900] =	vst v63  }
0x173: {  	s11 =	simm.s32 $0x14900  }
0x174: {  	[tilespmem:s11], [sflag:$0x7] =	stream.indirect_vreg.gather [hbm4b:s6+s3], $0x80, v4, vm0, $0xb8;
	[tilespmem:$0x19900] =	vst v63  }
0x175: {  	s22 =	simm.s32 $0x15100  }
0x176: {  	[tilespmem:s22], [sflag:$0x7] =	stream.indirect_vreg.gather [hbm4b:s1+s3], $0x80, v3, vm0, $0xb8;
	[tilespmem:$0x19900] =	vst v63  }
0x177: {  	s11 =	simm.s32 $0x15900  }
0x178: {  	[tilespmem:s11], [sflag:$0x7] =	stream.indirect_vreg.gather [hbm4b:s5+s3], $0x80, v3, vm0, $0xb8;
	[tilespmem:$0x19900] =	vst v63  }
0x179: {  	s22 =	simm.s32 $0x16100  }
0x17a: {  	[tilespmem:s22], [sflag:$0x7] =	stream.indirect_vreg.gather [hbm4b:s6+s3], $0x80, v3, vm0, $0xb8;
	[tilespmem:$0x19900] =	vst v63  }
0x17b: {  	s22 =	simm.s32 $0x8  }
0x17c: {  	_ =	swait.ge [sflag:s22], $0x3000  }
0x17d: {  	[sflag:s22] =	ssyncset.done $0x0  }
0x17e: {  	s11 =	rddreg [dreg:$0xb];
	[sflag:s22] =	ssyncadd.s32 $0xFFFFD000  }
0x17f: {  	s15 =	sadd.s32 s13, s11;
	s22 =	simm.s32 $0x16900;
	s11 =	simm.s32 $0x10  }
0x180: {  	[hbm4b:s15+s3] =	stream.linear.scatter [tilespmem:s22], [sflag:$0x10], $0x3000, $0x38;
	[tilespmem:$0x19900] =	vst v63  }
0x181: {  	_ =	swait.ge [sflag:s11], $0x3000  }
0x182: {  	[sflag:s11] =	ssyncset.done $0x0  }
0x183: {  	[sflag:s11] =	ssyncadd.s32 $0xFFFFD000  }
0x184: {  	v3 =	vld [tilespmem:s12+$0x0];
	_ =	sdelay $0x4  }
0x185: {  	v63 =	vshrl.u32 v3, $0x3  }
0x186: {  	v4 =	vmul.u32 $0x30, v63  }
0x187: {  	v3 =	vand.u32 $0x7, v3  }
0x188: {  	v3 =	vor.u32 v3, v4  }
0x189: {  	v4 =	vperm.xlane v3, v0;
	_ =	sdelay $0x1  }
0x18a: {  	v4 =	vadd.s32 v1, v4;
	_ =	sdelay $0x3  }
0x18b: {  	v3 =	vperm.xlane v3, v2  }
0x18c: {  	[tilespmem:s22], [sflag:$0x8] =	stream.indirect_vreg.gather [hbm4b:s1+s3], $0x80, v4, vm0, $0xb8;
	[tilespmem:$0x19900] =	vst v63  }
0x18d: {  	s23 =	simm.s32 $0x1900;
	v3 =	vadd.s32 v1, v3;
	s22 =	simm.s32 $0x17100  }
0x18e: {  	[tilespmem:s22], [sflag:$0x8] =	stream.indirect_vreg.gather [hbm4b:s5+s3], $0x80, v4, vm0, $0xb8;
	[tilespmem:$0x19900] =	vst v63  }
0x18f: {  	p0 =	sne.s32 s13, $0x90000;
	s8 =	simm.s32 $0x7900;
	s11 =	simm.s32 $0x17900  }
0x190: {  	[tilespmem:s11], [sflag:$0x8] =	stream.indirect_vreg.gather [hbm4b:s6+s3], $0x80, v4, vm0, $0xb8;
	[tilespmem:$0x19900] =	vst v63  }
0x191: {  	s17 =	simm.s32 $0x4900;
	s14 =	simm.s32 $0xA900;
	s11 =	simm.s32 $0x18100  }
0x192: {  	[tilespmem:s11], [sflag:$0x8] =	stream.indirect_vreg.gather [hbm4b:s1+s3], $0x80, v3, vm0, $0xb8;
	[tilespmem:$0x19900] =	vst v63  }
.Ltmp0:
0x193: {  	s21 =	simm.s32 $0xD900;
	s16 =	simm.s32 $0x10900;
	(pc) =	sbr.rel @p0 .LBB2_2-.Ltmp0, $4  }
0x194: {  	s19 =	simm.s32 $0x13900;
	s13 =	sadd.s32 $0x3000, s13;
	s11 =	simm.s32 $0x18900  }
0x195: {  	[tilespmem:s11], [sflag:$0x8] =	stream.indirect_vreg.gather [hbm4b:s5+s3], $0x80, v3, vm0, $0xb8;
	[tilespmem:$0x19900] =	vst v63  }
0x196: {  	s15 =	simm.s32 $0x16900;
	s12 =	sadd.s32 $0x80, s12;
	s11 =	simm.s32 $0x19100  }
0x197: {  	[tilespmem:s11], [sflag:$0x8] =	stream.indirect_vreg.gather [hbm4b:s6+s3], $0x80, v3, vm0, $0xb8;
	[tilespmem:$0x19900] =	vst v63  }
0x198: {  	_ =	swait.ge [sflag:s24], $0x3000  }
0x199: {  	[sflag:s24] =	ssyncset.done $0x0  }
0x19a: {  	s12 =	rddreg [dreg:$0xd];
	[sflag:s24] =	ssyncadd.s32 $0xFFFFD000  }
0x19b: {  	[hbm4b:s12+s3] =	stream.linear.scatter [tilespmem:s23], [sflag:$0x9], $0x3000, $0x38;
	[tilespmem:$0x19900] =	vst v63  }
0x19c: {  	_ =	swait.ge [sflag:s25], $0x3000  }
0x19d: {  	[sflag:s25] =	ssyncset.done $0x0  }
0x19e: {  	[sflag:s25] =	ssyncadd.s32 $0xFFFFD000  }
0x19f: {  	_ =	swait.ge [sflag:s26], $0x3000  }
0x1a0: {  	[sflag:s26] =	ssyncset.done $0x0  }
0x1a1: {  	s11 =	rddreg [dreg:$0xe];
	[sflag:s26] =	ssyncadd.s32 $0xFFFFD000  }
0x1a2: {  	[hbm4b:s11+s3] =	stream.linear.scatter [tilespmem:s17], [sflag:$0xA], $0x3000, $0x38;
	[tilespmem:$0x19900] =	vst v63  }
0x1a3: {  	_ =	swait.ge [sflag:s28], $0x3000  }
0x1a4: {  	[sflag:s28] =	ssyncset.done $0x0  }
0x1a5: {  	[sflag:s28] =	ssyncadd.s32 $0xFFFFD000  }
0x1a6: {  	_ =	swait.ge [sflag:s31], $0x3000  }
0x1a7: {  	[sflag:s31] =	ssyncset.done $0x0  }
0x1a8: {  	s13 =	rddreg [dreg:$0xf];
	[sflag:s31] =	ssyncadd.s32 $0xFFFFD000  }
0x1a9: {  	[hbm4b:s13+s3] =	stream.linear.scatter [tilespmem:s8], [sflag:$0xB], $0x3000, $0x38;
	[tilespmem:$0x19900] =	vst v63  }
0x1aa: {  	_ =	swait.ge [sflag:s2], $0x3000  }
0x1ab: {  	[sflag:s2] =	ssyncset.done $0x0  }
0x1ac: {  	[sflag:s2] =	ssyncadd.s32 $0xFFFFD000  }
0x1ad: {  	_ =	swait.ge [sflag:s0], $0x3000  }
0x1ae: {  	[sflag:s0] =	ssyncset.done $0x0  }
0x1af: {  	s2 =	rddreg [dreg:$0x10];
	[sflag:s0] =	ssyncadd.s32 $0xFFFFD000  }
0x1b0: {  	[hbm4b:s2+s3] =	stream.linear.scatter [tilespmem:s14], [sflag:$0xC], $0x3000, $0x38;
	[tilespmem:$0x19900] =	vst v63  }
0x1b1: {  	_ =	swait.ge [sflag:s4], $0x3000  }
0x1b2: {  	[sflag:s4] =	ssyncset.done $0x0  }
0x1b3: {  	[sflag:s4] =	ssyncadd.s32 $0xFFFFD000  }
0x1b4: {  	_ =	swait.ge [sflag:s7], $0x3000  }
0x1b5: {  	[sflag:s7] =	ssyncset.done $0x0  }
0x1b6: {  	[sflag:s7] =	ssyncadd.s32 $0xFFFFD000;
	s7 =	rddreg [dreg:$0x11]  }
0x1b7: {  	[hbm4b:s7+s3] =	stream.linear.scatter [tilespmem:s21], [sflag:$0xD], $0x3000, $0x38;
	[tilespmem:$0x19900] =	vst v63  }
0x1b8: {  	_ =	swait.ge [sflag:s10], $0x3000  }
0x1b9: {  	[sflag:s10] =	ssyncset.done $0x0  }
0x1ba: {  	[sflag:s10] =	ssyncadd.s32 $0xFFFFD000;
	s10 =	simm.s32 $0x6  }
0x1bb: {  	_ =	swait.ge [sflag:s10], $0x3000  }
0x1bc: {  	[sflag:s10] =	ssyncset.done $0x0  }
0x1bd: {  	s12 =	simm.s32 $0xE;
	s11 =	rddreg [dreg:$0x12];
	[sflag:s10] =	ssyncadd.s32 $0xFFFFD000  }
0x1be: {  	[hbm4b:s11+s3] =	stream.linear.scatter [tilespmem:s16], [sflag:$0xE], $0x3000, $0x38;
	[tilespmem:$0x19900] =	vst v63  }
0x1bf: {  	_ =	swait.ge [sflag:s12], $0x3000  }
0x1c0: {  	[sflag:s12] =	ssyncset.done $0x0  }
0x1c1: {  	s13 =	simm.s32 $0x7;
	[sflag:s12] =	ssyncadd.s32 $0xFFFFD000  }
0x1c2: {  	_ =	swait.ge [sflag:s13], $0x3000  }
0x1c3: {  	[sflag:s13] =	ssyncset.done $0x0  }
0x1c4: {  	s4 =	simm.s32 $0xF;
	s2 =	rddreg [dreg:$0x13];
	[sflag:s13] =	ssyncadd.s32 $0xFFFFD000  }
0x1c5: {  	[hbm4b:s2+s3] =	stream.linear.scatter [tilespmem:s19], [sflag:$0xF], $0x3000, $0x38;
	[tilespmem:$0x19900] =	vst v63  }
0x1c6: {  	_ =	swait.ge [sflag:s4], $0x3000  }
0x1c7: {  	[sflag:s4] =	ssyncset.done $0x0  }
0x1c8: {  	s7 =	simm.s32 $0x8;
	[sflag:s4] =	ssyncadd.s32 $0xFFFFD000  }
0x1c9: {  	_ =	swait.ge [sflag:s7], $0x3000  }
0x1ca: {  	[sflag:s7] =	ssyncset.done $0x0  }
0x1cb: {  	s11 =	simm.s32 $0x10;
	s10 =	rddreg [dreg:$0x14];
	[sflag:s7] =	ssyncadd.s32 $0xFFFFD000  }
0x1cc: {  	[hbm4b:s10+s3] =	stream.linear.scatter [tilespmem:s15], [sflag:$0x10], $0x3000, $0x38;
	[tilespmem:$0x19900] =	vst v63  }
0x1cd: {  	_ =	swait.ge [sflag:s11], $0x3000  }
0x1ce: {  	s12 =	rddreg [dreg:$0x16]  }
0x1cf: {  	s13 =	rddreg [dreg:$0x15];
	s0 =	sadd.s32 $0x1, s12  }
0x1d0: {  	p0 =	sne.s32 s0, s13  }
.Ltmp1:
0x1d1: {  	_ = 	snop;
	(pc) =	sbr.rel @p0 .LBB2_1-.Ltmp1, $4  }
0x1d2: {  	_ = 	snop  }
0x1d3: {  	s2 =	simm.s32 $0x5100  }
0x1d4: {  	s4 =	simm.s32 $0x2100;
	s7 =	simm.s32 $0x3100;
	[sflag:s11] =	ssyncset.done $0x0  }
0x1d5: {  	s10 =	simm.s32 $0x3900;
	[sflag:s11] =	ssyncadd.s32 $0xFFFFD000;
	s13 =	simm.s32 $0x4100  }
0x1d6: {  	_ =	sfence.sel $0x180000  }
0x1d7: {  	[bflag:$0x0] =	sbarrier.arrive $0xFFFF  }
0x1d8: {  	_ =	strace $0x90000047  }
0x1d9: {  	s0 =	stileid.u32;
	[bflag:$0x2] =	sbarrier.arrive $0xFFFF  }
0x1da: {  	p0 =	sne.s32 s0, $0x0;
	s0 =	rddreg [dreg:$0x3]  }
0x1db: {  	s0 =	sadd.s32 @!p0 $0x100000, s0  }
0x1dc: {  	[sflag:s0] =	ssyncadd.tile.s32 @!p0 $0x1;
	_ =	shalt  }
.Lfunc_end2:
_tile_overlayer_lowered:
.L_overlay_start_2:
0x1dd: {  	(tag) =	ssettag $0x2  }
0x1de: {  	s0 =	rddreg [dreg:$0x0];
	s2 =	stileid.u32  }
0x1df: {  	s1 =	rddreg [dreg:$0x1];
	p0 =	sne.s32 s2, $0x0  }
0x1e0: {  	s3 =	rddreg [dreg:$0x2];
	[bflag:$0x3] =	sbarrier.arrive $0xFFFF;
	s2 =	simm.s32 @!p0 $0x1C11  }
0x1e1: {  	[timem:s3], [sflag:s2] =	dma.local @!p0 [hbm:s0], s1  }
0x1e2: {  	s0 =	simm.s32 @!p0 $0x11  }
0x1e3: {  	_ =	swait.ge @!p0 [sflag:s0], s1  }
0x1e4: {  	s1 =	ssub.s32 @!p0 $0x0, s1;
	[sflag:s0] =	ssyncset.done @!p0 $0x0  }
0x1e5: {  	[sflag:s0] =	ssyncadd.s32 @!p0 s1  }
0x1e6: {  	[bflag:$0x3] =	sbarrier.arrive $0xFFFF  }
0x1e7: {  	_ =	shalt  }

</sc_bundles>
